<compile_context>
chip_gen: v7x
topology: tpu7x:2x2x1
jax: 0.10.2.dev20260603
libtpu: 0.0.44.dev20260713+nightly
codegen_flags: <defaults>
</compile_context>

<pallas_src>
import jax
import jax.numpy as jnp
from jax import lax
from jax.experimental import pallas as pl
from jax.experimental.pallas import tpu as pltpu
from jax.experimental.pallas import tpu_sc as plsc

N_CHANNELS = 384
N_NEIGHB = 64
N_SPIKES = 1_000_000
N_QUERY_CH = 96
MIN_COVERAGE = 0.9

L = 16
NC = 2
NS = 16
NW = NC * NS
NV = N_SPIKES // L
BASE_V = NV // NW
REM_V = NV % NW
CHUNK_V = 512
CW = CHUNK_V * L
N_CHUNKS = -(-(BASE_V + 1) // CHUNK_V)
TAIL_V = (BASE_V + 1) - (N_CHUNKS - 1) * CHUNK_V
CHUNK_SIZES = [CHUNK_V] * (N_CHUNKS - 1) + [TAIL_V]
U = 8
NPT = N_NEIGHB // NS
QC = N_CHANNELS // L


def _sc_body(indT_hbm, ids_hbm, ch_hbm, pc_hbm,
             cov_hbm, cvd_hbm, nsp_hbm, out_hbm,
             ind4_v, ch_v, pc_v, m_v, slot_v, sm_v,
             small_v, table_v, idbufs, obufs, shared_sm,
             sins, souts, sa):
    cid = lax.axis_index("c")
    sid = lax.axis_index("s")
    iota = lax.iota(jnp.int32, L)
    zero = jnp.zeros((L,), jnp.float32)

    w = sid * NC + cid
    n_w = BASE_V + jnp.where(w < REM_V, 1, 0)
    s_w = BASE_V * w + jnp.minimum(w, REM_V)

    def chunk_base(i):
        if i < N_CHUNKS - 1:
            coff = jnp.int32(i * CHUNK_V)
        else:
            coff = n_w - TAIL_V
        return (s_w + coff) * L

    ind_d = pltpu.async_copy(indT_hbm.at[pl.ds(sid * NPT, NPT)], ind4_v, sa)
    ch_d = pltpu.async_copy(ch_hbm, ch_v, sa)
    in_d = [pltpu.async_copy(
        ids_hbm.at[pl.ds(chunk_base(i), CHUNK_SIZES[i] * L)],
        idbufs[i].at[pl.ds(0, CHUNK_SIZES[i] * L)], sins[i])
            for i in range(N_CHUNKS)]

    @pl.when((sid == 0) & (cid == 0))
    def _load_pc():
        pltpu.sync_copy(pc_hbm, pc_v)

    for q in range(QC):
        m_v[pl.ds(q * L, L)] = zero
    ones = jnp.ones((L,), jnp.float32)
    ind_d.wait()
    ch_d.wait()
    for g in range(N_QUERY_CH // L):
        plsc.addupdate_scatter(m_v, [ch_v[pl.ds(g * L, L)]], ones)

    slot = zero
    for n in range(NPT):
        @plsc.parallel_loop(0, QC, step=1, unroll=6, carry=(zero, zero))
        def accs(q, c):
            acc_c, acc_s = c
            row = ind4_v[n, pl.ds(q * L, L)]
            return acc_c + row, acc_s + m_v[pl.ds(q * L, L)] * row
        cnt_n = jnp.sum(accs[0])
        ssum_n = jnp.sum(accs[1])
        cov_vec = (jnp.full((L,), ssum_n, jnp.float32)
                   / jnp.full((L,), cnt_n, jnp.float32))
        masked_vec = jnp.where(cov_vec >= MIN_COVERAGE, cov_vec,
                               jnp.float32(0.0))
        slot = jnp.where(iota == n, cov_vec, slot)
        slot = jnp.where(iota == NPT + n, masked_vec, slot)
    slot_v[pl.ds(0, L)] = slot
    pltpu.sync_copy(slot_v, shared_sm.at[pl.ds(sid * L, L)])
    plsc.subcore_barrier()
    pltpu.sync_copy(shared_sm, sm_v)

    for jj in range(N_NEIGHB // L):
        j = jj * L + iota
        table_v[pl.ds(jj * L, L)] = plsc.load_gather(
            sm_v, [(j >> 2) * L + NPT + (j & (NPT - 1))])

    @pl.when((sid == 0) & (cid == 0))
    def _small_compute():
        nsp = jnp.int32(0)
        for jj in range(N_NEIGHB // L):
            j = jj * L + iota
            covj = plsc.load_gather(sm_v, [(j >> 2) * L + (j & (NPT - 1))])
            cvdj = covj >= MIN_COVERAGE
            pc = pc_v[pl.ds(jj * L, L)]
            nsp = nsp + jnp.sum(jnp.where(cvdj, pc, jnp.int32(0)))
            small_v[pl.ds(jj * L, L)] = covj
            small_v[pl.ds(N_NEIGHB + jj * L, L)] = jnp.where(
                cvdj, jnp.float32(1.0), jnp.float32(0.0))
        small_v[pl.ds(2 * N_NEIGHB, L)] = jnp.full(
            (L,), nsp, jnp.int32).astype(jnp.float32)

    out_d = [None] * N_CHUNKS
    for i in range(N_CHUNKS):
        ib = idbufs[i]
        ob = obufs[i]
        in_d[i].wait()

        @plsc.parallel_loop(0, CHUNK_SIZES[i], step=1, unroll=U)
        def _g(k, ib=ib, ob=ob):
            off = k * L
            ob[pl.ds(off, L)] = plsc.load_gather(
                table_v, [ib[pl.ds(off, L)]])

        out_d[i] = pltpu.async_copy(
            ob.at[pl.ds(0, CHUNK_SIZES[i] * L)],
            out_hbm.at[pl.ds(chunk_base(i), CHUNK_SIZES[i] * L)], souts[i])

    @pl.when((sid == 0) & (cid == 0))
    def _write_small():
        pltpu.sync_copy(small_v.at[pl.ds(0, N_NEIGHB)], cov_hbm)
        pltpu.sync_copy(small_v.at[pl.ds(N_NEIGHB, N_NEIGHB)], cvd_hbm)
        pltpu.sync_copy(small_v.at[pl.ds(2 * N_NEIGHB, L)], nsp_hbm)

    for i in range(N_CHUNKS):
        out_d[i].wait()


@jax.jit
def _run(indT, ids, ch, pc):
    mesh = plsc.VectorSubcoreMesh(core_axis_name="c", subcore_axis_name="s",
                                  num_cores=NC, num_subcores=NS)
    f = pl.kernel(
        _sc_body,
        out_type=(
            jax.ShapeDtypeStruct((N_NEIGHB,), jnp.float32),
            jax.ShapeDtypeStruct((N_NEIGHB,), jnp.float32),
            jax.ShapeDtypeStruct((L,), jnp.float32),
            jax.ShapeDtypeStruct((N_SPIKES,), jnp.float32),
        ),
        mesh=mesh,
        compiler_params=pltpu.CompilerParams(needs_layout_passes=False),
        scratch_types=(
            pltpu.VMEM((NPT, N_CHANNELS), jnp.float32),
            pltpu.VMEM((N_QUERY_CH,), jnp.int32),
            pltpu.VMEM((N_NEIGHB,), jnp.int32),
            pltpu.VMEM((N_CHANNELS,), jnp.float32),
            pltpu.VMEM((L,), jnp.float32),
            pltpu.VMEM((NS * L,), jnp.float32),
            pltpu.VMEM((2 * N_NEIGHB + L,), jnp.float32),
            pltpu.VMEM((N_NEIGHB,), jnp.float32),
            [pltpu.VMEM((CW,), jnp.int32)] * N_CHUNKS,
            [pltpu.VMEM((CW,), jnp.float32)] * N_CHUNKS,
            pltpu.VMEM_SHARED((NS * L,), jnp.float32),
            [pltpu.SemaphoreType.DMA] * N_CHUNKS,
            [pltpu.SemaphoreType.DMA] * N_CHUNKS,
            pltpu.SemaphoreType.DMA,
        ),
    )
    return f(indT, ids, ch, pc)


def kernel(indicators, neighborhood_ids, channels, popcounts):
    cov, cvd, nsp, spike_cov = _run(
        indicators.astype(jnp.float32).T, neighborhood_ids.astype(jnp.int32),
        channels.astype(jnp.int32), popcounts.astype(jnp.int32))
    covered = cvd != 0.0
    n_spikes_covered = nsp[0].astype(jnp.int32)
    return cov, covered, n_spikes_covered, spike_cov

# --- scband reference (transcript-rebuilt; emitter-appended) ---
"""Pipeline reference for scband-spike-neighborhoods-65446711657210 (READ-ONLY COPY).

The authoritative reference and input builder live on the scoring server;
editing this copy changes nothing except your own understanding.
"""

import jax, jax.numpy as jnp
import numpy as np

N_CHANNELS = 384
N_NEIGHB = 64
NHOOD_SIZE = 12
N_SPIKES = 1000000
N_QUERY_CH = 96
MIN_COVERAGE = 0.9


def setup_inputs(seed: int = 0) -> dict:
    key = jax.random.key(seed)
    k1, k2, k3 = jax.random.split(key, 3)
    # constructor tensors
    neighborhoods = jax.random.randint(k1, (N_NEIGHB, NHOOD_SIZE), 0, N_CHANNELS)
    neighborhood_ids = jax.random.randint(k2, (N_SPIKES,), 0, N_NEIGHB)
    # forward arg: query channel subset
    channels = jax.random.randint(k3, (N_QUERY_CH,), 0, N_CHANNELS)
    # derived buffers (built exactly as in torch __init__)
    # indicators[nhood[j, s], j] = 1.0  (all entries valid since < n_channels)
    indicators = jnp.zeros((N_CHANNELS, N_NEIGHB), dtype=jnp.float32)
    indicators = indicators.at[neighborhoods, jnp.arange(N_NEIGHB)[None, :].repeat(NHOOD_SIZE, axis=0).T * 0 + jnp.arange(N_NEIGHB)[:, None]].set(1.0)
    # popcounts[j] = number of spikes whose neighborhood id == j
    popcounts = jnp.bincount(neighborhood_ids, length=N_NEIGHB)
    return {
        "indicators": indicators,
        "neighborhood_ids": neighborhood_ids,
        "channels": channels,
        "popcounts": popcounts,
    }


def reference(indicators, neighborhood_ids, channels, popcounts):
    """Faithful static-shape translation of SpikeNeighborhoods.subset_neighborhoods.

    The torch version returns (covered_ids, neighborhood_info, n_spikes), where
    neighborhood_info gathers the member spike indices of each covered
    neighborhood. With static shapes we return the covered mask, the coverage
    vector, the covered-spike count, and a per-spike coverage gather (the
    membership-selection step expressed as a dense gather over all spikes).
    """
    channel_counts = indicators.sum(0)
    inds = indicators[channels]  # gather rows: [n_query_ch, n_neighborhoods]
    coverage = inds.sum(0) / channel_counts
    covered = coverage >= MIN_COVERAGE
    n_spikes_covered = jnp.sum(jnp.where(covered, popcounts, 0))
    # per-spike membership-in-covered-neighborhood gather (memory bound)
    spike_coverage = jnp.where(covered[neighborhood_ids], coverage[neighborhood_ids], 0.0)
    return coverage, covered, n_spikes_covered, spike_coverage

if __name__ == "__main__":
    import jax
    _d = setup_inputs()
    print(jax.jit(kernel)(*tuple(_d.values())))

</pallas_src>

<mosaic_0001>
#map = affine_map<(d0, d1) -> (0, 0)>
#map1 = affine_map<(d0, d1) -> (0)>
module attributes {stable_mosaic.version = 14 : i64} {
  func.func @_sc_body(%arg0: i32, %arg1: i32, %arg2: memref<64x384xf32, #tpu.memory_space<hbm>>, %arg3: memref<1000000xi32, #tpu.memory_space<hbm>>, %arg4: memref<96xi32, #tpu.memory_space<hbm>>, %arg5: memref<64xi32, #tpu.memory_space<hbm>>, %arg6: memref<64xf32, #tpu.memory_space<hbm>>, %arg7: memref<64xf32, #tpu.memory_space<hbm>>, %arg8: memref<16xf32, #tpu.memory_space<hbm>>, %arg9: memref<1000000xf32, #tpu.memory_space<hbm>>, %arg10: memref<4x384xf32, #tpu.memory_space<vmem>>, %arg11: memref<96xi32, #tpu.memory_space<vmem>>, %arg12: memref<64xi32, #tpu.memory_space<vmem>>, %arg13: memref<384xf32, #tpu.memory_space<vmem>>, %arg14: memref<16xf32, #tpu.memory_space<vmem>>, %arg15: memref<256xf32, #tpu.memory_space<vmem>>, %arg16: memref<144xf32, #tpu.memory_space<vmem>>, %arg17: memref<64xf32, #tpu.memory_space<vmem>>, %arg18: memref<8192xi32, #tpu.memory_space<vmem>>, %arg19: memref<8192xi32, #tpu.memory_space<vmem>>, %arg20: memref<8192xi32, #tpu.memory_space<vmem>>, %arg21: memref<8192xi32, #tpu.memory_space<vmem>>, %arg22: memref<8192xf32, #tpu.memory_space<vmem>>, %arg23: memref<8192xf32, #tpu.memory_space<vmem>>, %arg24: memref<8192xf32, #tpu.memory_space<vmem>>, %arg25: memref<8192xf32, #tpu.memory_space<vmem>>, %arg26: memref<256xf32, #tpu.memory_space<vmem_shared>>, %arg27: memref<!tpu.dma_semaphore, #tpu.memory_space<semaphore_mem>>, %arg28: memref<!tpu.dma_semaphore, #tpu.memory_space<semaphore_mem>>, %arg29: memref<!tpu.dma_semaphore, #tpu.memory_space<semaphore_mem>>, %arg30: memref<!tpu.dma_semaphore, #tpu.memory_space<semaphore_mem>>, %arg31: memref<!tpu.dma_semaphore, #tpu.memory_space<semaphore_mem>>, %arg32: memref<!tpu.dma_semaphore, #tpu.memory_space<semaphore_mem>>, %arg33: memref<!tpu.dma_semaphore, #tpu.memory_space<semaphore_mem>>, %arg34: memref<!tpu.dma_semaphore, #tpu.memory_space<semaphore_mem>>, %arg35: memref<!tpu.dma_semaphore, #tpu.memory_space<semaphore_mem>>) attributes {dimension_semantics = [#tpu.dimension_semantics<core_parallel>, #tpu.dimension_semantics<subcore_parallel>], iteration_bounds = array<i64: 2, 16>, scalar_prefetch = 0 : i64, scratch_operands = 26 : i64, tpu.core_type = #tpu.core_type<sc_vector_subcore>, window_params = [{transform_indices = #map}, {transform_indices = #map1}, {transform_indices = #map1}, {transform_indices = #map1}, {transform_indices = #map1}, {transform_indices = #map1}, {transform_indices = #map1}, {transform_indices = #map1}]} {
    %iota3A = tpu.iota {dimensions = array<i32: 0>} : vector<16xi32>
    %broadcast_in_dim3A = arith.constant 0.000000e+00 : f32
    %broadcast_in_dim3A_0 = vector.broadcast %broadcast_in_dim3A : f32 to vector<16xf32>
    %mul3A = arith.constant 2 : i32
    %mul3A_1 = arith.muli %arg1, %mul3A : i32
    %add3A = arith.addi %mul3A_1, %arg0 : i32
    %lt3A = arith.constant 4 : i32
    %lt3A_2 = arith.cmpi slt, %add3A, %lt3A : i32
    %jit3A = arith.constant 1 : i32
    %jit3A_3 = arith.constant 0 : i32
    %select_n3A = arith.select %lt3A_2, %jit3A, %jit3A_3 : i32
    %add3A_4 = arith.constant 1953 : i32
    %add3A_5 = arith.addi %add3A_4, %select_n3A : i32
    %mul3A_6 = arith.constant 1953 : i32
    %mul3A_7 = arith.muli %mul3A_6, %add3A : i32
    %min3A = arith.constant 4 : i32
    %min3A_8 = arith.minsi %add3A, %min3A : i32
    %add3A_9 = arith.addi %mul3A_7, %min3A_8 : i32
    %mul3A_10 = arith.constant 4 : i32
    %mul3A_11 = arith.muli %arg1, %mul3A_10 : i32
    %dma_start3A = arith.constant 0 : i32
    %dma_start3A_12 = tpu.memref_slice %arg2[%mul3A_11, %dma_start3A] : memref<64x384xf32, #tpu.memory_space<hbm>> -> memref<4x384xf32, #tpu.memory_space<hbm>>
    %dma_start3A_13 = arith.constant 0 : i32
    %dma_start3A_14 = tpu.memref_slice %arg2[%mul3A_11, %dma_start3A_13] : memref<64x384xf32, #tpu.memory_space<hbm>> -> memref<4x384xf32, #tpu.memory_space<hbm>>
    tpu.enqueue_dma source(%dma_start3A_14 : memref<4x384xf32, #tpu.memory_space<hbm>>) target(%arg10 : memref<4x384xf32, #tpu.memory_space<vmem>>) target_semaphore(%arg35 : memref<!tpu.dma_semaphore, #tpu.memory_space<semaphore_mem>>)
    tpu.enqueue_dma source(%arg4 : memref<96xi32, #tpu.memory_space<hbm>>) target(%arg11 : memref<96xi32, #tpu.memory_space<vmem>>) target_semaphore(%arg35 : memref<!tpu.dma_semaphore, #tpu.memory_space<semaphore_mem>>)
    %add3A_15 = arith.constant 0 : i32
    %add3A_16 = arith.addi %add3A_9, %add3A_15 : i32
    %mul3A_17 = arith.constant 16 : i32
    %mul3A_18 = arith.muli %add3A_16, %mul3A_17 : i32
    %dma_start3A_19 = arith.constant 0 : i32
    %dma_start3A_20 = tpu.memref_slice %arg18[%dma_start3A_19] : memref<8192xi32, #tpu.memory_space<vmem>> -> memref<8192xi32, #tpu.memory_space<vmem>>
    %dma_start3A_21 = tpu.memref_slice %arg3[%mul3A_18] : memref<1000000xi32, #tpu.memory_space<hbm>> -> memref<8192xi32, #tpu.memory_space<hbm>>
    %dma_start3A_22 = arith.constant 0 : i32
    %dma_start3A_23 = tpu.memref_slice %arg18[%dma_start3A_22] : memref<8192xi32, #tpu.memory_space<vmem>> -> memref<8192xi32, #tpu.memory_space<vmem>>
    %dma_start3A_24 = tpu.memref_slice %arg3[%mul3A_18] : memref<1000000xi32, #tpu.memory_space<hbm>> -> memref<8192xi32, #tpu.memory_space<hbm>>
    tpu.enqueue_dma source(%dma_start3A_24 : memref<8192xi32, #tpu.memory_space<hbm>>) target(%dma_start3A_23 : memref<8192xi32, #tpu.memory_space<vmem>>) target_semaphore(%arg27 : memref<!tpu.dma_semaphore, #tpu.memory_space<semaphore_mem>>)
    %add3A_25 = arith.constant 512 : i32
    %add3A_26 = arith.addi %add3A_9, %add3A_25 : i32
    %mul3A_27 = arith.constant 16 : i32
    %mul3A_28 = arith.muli %add3A_26, %mul3A_27 : i32
    %dma_start3A_29 = arith.constant 0 : i32
    %dma_start3A_30 = tpu.memref_slice %arg19[%dma_start3A_29] : memref<8192xi32, #tpu.memory_space<vmem>> -> memref<8192xi32, #tpu.memory_space<vmem>>
    %dma_start3A_31 = tpu.memref_slice %arg3[%mul3A_28] : memref<1000000xi32, #tpu.memory_space<hbm>> -> memref<8192xi32, #tpu.memory_space<hbm>>
    %dma_start3A_32 = arith.constant 0 : i32
    %dma_start3A_33 = tpu.memref_slice %arg19[%dma_start3A_32] : memref<8192xi32, #tpu.memory_space<vmem>> -> memref<8192xi32, #tpu.memory_space<vmem>>
    %dma_start3A_34 = tpu.memref_slice %arg3[%mul3A_28] : memref<1000000xi32, #tpu.memory_space<hbm>> -> memref<8192xi32, #tpu.memory_space<hbm>>
    tpu.enqueue_dma source(%dma_start3A_34 : memref<8192xi32, #tpu.memory_space<hbm>>) target(%dma_start3A_33 : memref<8192xi32, #tpu.memory_space<vmem>>) target_semaphore(%arg28 : memref<!tpu.dma_semaphore, #tpu.memory_space<semaphore_mem>>)
    %add3A_35 = arith.constant 1024 : i32
    %add3A_36 = arith.addi %add3A_9, %add3A_35 : i32
    %mul3A_37 = arith.constant 16 : i32
    %mul3A_38 = arith.muli %add3A_36, %mul3A_37 : i32
    %dma_start3A_39 = arith.constant 0 : i32
    %dma_start3A_40 = tpu.memref_slice %arg20[%dma_start3A_39] : memref<8192xi32, #tpu.memory_space<vmem>> -> memref<8192xi32, #tpu.memory_space<vmem>>
    %dma_start3A_41 = tpu.memref_slice %arg3[%mul3A_38] : memref<1000000xi32, #tpu.memory_space<hbm>> -> memref<8192xi32, #tpu.memory_space<hbm>>
    %dma_start3A_42 = arith.constant 0 : i32
    %dma_start3A_43 = tpu.memref_slice %arg20[%dma_start3A_42] : memref<8192xi32, #tpu.memory_space<vmem>> -> memref<8192xi32, #tpu.memory_space<vmem>>
    %dma_start3A_44 = tpu.memref_slice %arg3[%mul3A_38] : memref<1000000xi32, #tpu.memory_space<hbm>> -> memref<8192xi32, #tpu.memory_space<hbm>>
    tpu.enqueue_dma source(%dma_start3A_44 : memref<8192xi32, #tpu.memory_space<hbm>>) target(%dma_start3A_43 : memref<8192xi32, #tpu.memory_space<vmem>>) target_semaphore(%arg29 : memref<!tpu.dma_semaphore, #tpu.memory_space<semaphore_mem>>)
    %sub3A = arith.constant 418 : i32
    %sub3A_45 = arith.subi %add3A_5, %sub3A : i32
    %add3A_46 = arith.addi %add3A_9, %sub3A_45 : i32
    %mul3A_47 = arith.constant 16 : i32
    %mul3A_48 = arith.muli %add3A_46, %mul3A_47 : i32
    %dma_start3A_49 = arith.constant 0 : i32
    %dma_start3A_50 = tpu.memref_slice %arg21[%dma_start3A_49] : memref<8192xi32, #tpu.memory_space<vmem>> -> memref<6688xi32, #tpu.memory_space<vmem>>
    %dma_start3A_51 = tpu.memref_slice %arg3[%mul3A_48] : memref<1000000xi32, #tpu.memory_space<hbm>> -> memref<6688xi32, #tpu.memory_space<hbm>>
    %dma_start3A_52 = arith.constant 0 : i32
    %dma_start3A_53 = tpu.memref_slice %arg21[%dma_start3A_52] : memref<8192xi32, #tpu.memory_space<vmem>> -> memref<6688xi32, #tpu.memory_space<vmem>>
    %dma_start3A_54 = tpu.memref_slice %arg3[%mul3A_48] : memref<1000000xi32, #tpu.memory_space<hbm>> -> memref<6688xi32, #tpu.memory_space<hbm>>
    tpu.enqueue_dma source(%dma_start3A_54 : memref<6688xi32, #tpu.memory_space<hbm>>) target(%dma_start3A_53 : memref<6688xi32, #tpu.memory_space<vmem>>) target_semaphore(%arg30 : memref<!tpu.dma_semaphore, #tpu.memory_space<semaphore_mem>>)
    %eq3A = arith.constant 0 : i32
    %eq3A_55 = arith.cmpi eq, %arg1, %eq3A : i32
    %eq3A_56 = arith.constant 0 : i32
    %eq3A_57 = arith.cmpi eq, %arg0, %eq3A_56 : i32
    %and3A = arith.andi %eq3A_55, %eq3A_57 : i1
    %convert_element_type3A = arith.extui %and3A : i1 to i32
    %cond3A = arith.constant 0 : i32
    %cond3A_58 = arith.cmpi ne, %convert_element_type3A, %cond3A : i32
    scf.if %cond3A_58 {
      "tpu.region"() ({
        %run_scoped3A = tpu.sem_alloc : memref<!tpu.dma_semaphore, #tpu.memory_space<semaphore_mem>>
        tpu.enqueue_dma source(%arg5 : memref<64xi32, #tpu.memory_space<hbm>>) target(%arg12 : memref<64xi32, #tpu.memory_space<vmem>>) target_semaphore(%run_scoped3A : memref<!tpu.dma_semaphore, #tpu.memory_space<semaphore_mem>>)
        tpu.wait_dma2 semaphore(%run_scoped3A : memref<!tpu.dma_semaphore, #tpu.memory_space<semaphore_mem>>) src(%arg5 : memref<64xi32, #tpu.memory_space<hbm>>) dst(%arg12 : memref<64xi32, #tpu.memory_space<vmem>>)
        tpu.yield
      }) : () -> ()
    } else {
    }
    %swap3A = arith.constant 0 : index
    %swap3A_59 = tpu.vector_load %arg13[%swap3A] {strides = array<i32>} : memref<384xf32, #tpu.memory_space<vmem>>, vector<16xf32>,
    tpu.vector_store %arg13[%swap3A], %broadcast_in_dim3A_0 {strides = array<i32>} : memref<384xf32, #tpu.memory_space<vmem>>, vector<16xf32>,
    %swap3A_60 = arith.constant 16 : index
    %swap3A_61 = tpu.vector_load %arg13[%swap3A_60] {strides = array<i32>} : memref<384xf32, #tpu.memory_space<vmem>>, vector<16xf32>,
    tpu.vector_store %arg13[%swap3A_60], %broadcast_in_dim3A_0 {strides = array<i32>} : memref<384xf32, #tpu.memory_space<vmem>>, vector<16xf32>,
    %swap3A_62 = arith.constant 32 : index
    %swap3A_63 = tpu.vector_load %arg13[%swap3A_62] {strides = array<i32>} : memref<384xf32, #tpu.memory_space<vmem>>, vector<16xf32>,
    tpu.vector_store %arg13[%swap3A_62], %broadcast_in_dim3A_0 {strides = array<i32>} : memref<384xf32, #tpu.memory_space<vmem>>, vector<16xf32>,
    %swap3A_64 = arith.constant 48 : index
    %swap3A_65 = tpu.vector_load %arg13[%swap3A_64] {strides = array<i32>} : memref<384xf32, #tpu.memory_space<vmem>>, vector<16xf32>,
    tpu.vector_store %arg13[%swap3A_64], %broadcast_in_dim3A_0 {strides = array<i32>} : memref<384xf32, #tpu.memory_space<vmem>>, vector<16xf32>,
    %swap3A_66 = arith.constant 64 : index
    %swap3A_67 = tpu.vector_load %arg13[%swap3A_66] {strides = array<i32>} : memref<384xf32, #tpu.memory_space<vmem>>, vector<16xf32>,
    tpu.vector_store %arg13[%swap3A_66], %broadcast_in_dim3A_0 {strides = array<i32>} : memref<384xf32, #tpu.memory_space<vmem>>, vector<16xf32>,
    %swap3A_68 = arith.constant 80 : index
    %swap3A_69 = tpu.vector_load %arg13[%swap3A_68] {strides = array<i32>} : memref<384xf32, #tpu.memory_space<vmem>>, vector<16xf32>,
    tpu.vector_store %arg13[%swap3A_68], %broadcast_in_dim3A_0 {strides = array<i32>} : memref<384xf32, #tpu.memory_space<vmem>>, vector<16xf32>,
    %swap3A_70 = arith.constant 96 : index
    %swap3A_71 = tpu.vector_load %arg13[%swap3A_70] {strides = array<i32>} : memref<384xf32, #tpu.memory_space<vmem>>, vector<16xf32>,
    tpu.vector_store %arg13[%swap3A_70], %broadcast_in_dim3A_0 {strides = array<i32>} : memref<384xf32, #tpu.memory_space<vmem>>, vector<16xf32>,
    %swap3A_72 = arith.constant 112 : index
    %swap3A_73 = tpu.vector_load %arg13[%swap3A_72] {strides = array<i32>} : memref<384xf32, #tpu.memory_space<vmem>>, vector<16xf32>,
    tpu.vector_store %arg13[%swap3A_72], %broadcast_in_dim3A_0 {strides = array<i32>} : memref<384xf32, #tpu.memory_space<vmem>>, vector<16xf32>,
    %swap3A_74 = arith.constant 128 : index
    %swap3A_75 = tpu.vector_load %arg13[%swap3A_74] {strides = array<i32>} : memref<384xf32, #tpu.memory_space<vmem>>, vector<16xf32>,
    tpu.vector_store %arg13[%swap3A_74], %broadcast_in_dim3A_0 {strides = array<i32>} : memref<384xf32, #tpu.memory_space<vmem>>, vector<16xf32>,
    %swap3A_76 = arith.constant 144 : index
    %swap3A_77 = tpu.vector_load %arg13[%swap3A_76] {strides = array<i32>} : memref<384xf32, #tpu.memory_space<vmem>>, vector<16xf32>,
    tpu.vector_store %arg13[%swap3A_76], %broadcast_in_dim3A_0 {strides = array<i32>} : memref<384xf32, #tpu.memory_space<vmem>>, vector<16xf32>,
    %swap3A_78 = arith.constant 160 : index
    %swap3A_79 = tpu.vector_load %arg13[%swap3A_78] {strides = array<i32>} : memref<384xf32, #tpu.memory_space<vmem>>, vector<16xf32>,
    tpu.vector_store %arg13[%swap3A_78], %broadcast_in_dim3A_0 {strides = array<i32>} : memref<384xf32, #tpu.memory_space<vmem>>, vector<16xf32>,
    %swap3A_80 = arith.constant 176 : index
    %swap3A_81 = tpu.vector_load %arg13[%swap3A_80] {strides = array<i32>} : memref<384xf32, #tpu.memory_space<vmem>>, vector<16xf32>,
    tpu.vector_store %arg13[%swap3A_80], %broadcast_in_dim3A_0 {strides = array<i32>} : memref<384xf32, #tpu.memory_space<vmem>>, vector<16xf32>,
    %swap3A_82 = arith.constant 192 : index
    %swap3A_83 = tpu.vector_load %arg13[%swap3A_82] {strides = array<i32>} : memref<384xf32, #tpu.memory_space<vmem>>, vector<16xf32>,
    tpu.vector_store %arg13[%swap3A_82], %broadcast_in_dim3A_0 {strides = array<i32>} : memref<384xf32, #tpu.memory_space<vmem>>, vector<16xf32>,
    %swap3A_84 = arith.constant 208 : index
    %swap3A_85 = tpu.vector_load %arg13[%swap3A_84] {strides = array<i32>} : memref<384xf32, #tpu.memory_space<vmem>>, vector<16xf32>,
    tpu.vector_store %arg13[%swap3A_84], %broadcast_in_dim3A_0 {strides = array<i32>} : memref<384xf32, #tpu.memory_space<vmem>>, vector<16xf32>,
    %swap3A_86 = arith.constant 224 : index
    %swap3A_87 = tpu.vector_load %arg13[%swap3A_86] {strides = array<i32>} : memref<384xf32, #tpu.memory_space<vmem>>, vector<16xf32>,
    tpu.vector_store %arg13[%swap3A_86], %broadcast_in_dim3A_0 {strides = array<i32>} : memref<384xf32, #tpu.memory_space<vmem>>, vector<16xf32>,
    %swap3A_88 = arith.constant 240 : index
    %swap3A_89 = tpu.vector_load %arg13[%swap3A_88] {strides = array<i32>} : memref<384xf32, #tpu.memory_space<vmem>>, vector<16xf32>,
    tpu.vector_store %arg13[%swap3A_88], %broadcast_in_dim3A_0 {strides = array<i32>} : memref<384xf32, #tpu.memory_space<vmem>>, vector<16xf32>,
    %swap3A_90 = arith.constant 256 : index
    %swap3A_91 = tpu.vector_load %arg13[%swap3A_90] {strides = array<i32>} : memref<384xf32, #tpu.memory_space<vmem>>, vector<16xf32>,
    tpu.vector_store %arg13[%swap3A_90], %broadcast_in_dim3A_0 {strides = array<i32>} : memref<384xf32, #tpu.memory_space<vmem>>, vector<16xf32>,
    %swap3A_92 = arith.constant 272 : index
    %swap3A_93 = tpu.vector_load %arg13[%swap3A_92] {strides = array<i32>} : memref<384xf32, #tpu.memory_space<vmem>>, vector<16xf32>,
    tpu.vector_store %arg13[%swap3A_92], %broadcast_in_dim3A_0 {strides = array<i32>} : memref<384xf32, #tpu.memory_space<vmem>>, vector<16xf32>,
    %swap3A_94 = arith.constant 288 : index
    %swap3A_95 = tpu.vector_load %arg13[%swap3A_94] {strides = array<i32>} : memref<384xf32, #tpu.memory_space<vmem>>, vector<16xf32>,
    tpu.vector_store %arg13[%swap3A_94], %broadcast_in_dim3A_0 {strides = array<i32>} : memref<384xf32, #tpu.memory_space<vmem>>, vector<16xf32>,
    %swap3A_96 = arith.constant 304 : index
    %swap3A_97 = tpu.vector_load %arg13[%swap3A_96] {strides = array<i32>} : memref<384xf32, #tpu.memory_space<vmem>>, vector<16xf32>,
    tpu.vector_store %arg13[%swap3A_96], %broadcast_in_dim3A_0 {strides = array<i32>} : memref<384xf32, #tpu.memory_space<vmem>>, vector<16xf32>,
    %swap3A_98 = arith.constant 320 : index
    %swap3A_99 = tpu.vector_load %arg13[%swap3A_98] {strides = array<i32>} : memref<384xf32, #tpu.memory_space<vmem>>, vector<16xf32>,
    tpu.vector_store %arg13[%swap3A_98], %broadcast_in_dim3A_0 {strides = array<i32>} : memref<384xf32, #tpu.memory_space<vmem>>, vector<16xf32>,
    %swap3A_100 = arith.constant 336 : index
    %swap3A_101 = tpu.vector_load %arg13[%swap3A_100] {strides = array<i32>} : memref<384xf32, #tpu.memory_space<vmem>>, vector<16xf32>,
    tpu.vector_store %arg13[%swap3A_100], %broadcast_in_dim3A_0 {strides = array<i32>} : memref<384xf32, #tpu.memory_space<vmem>>, vector<16xf32>,
    %swap3A_102 = arith.constant 352 : index
    %swap3A_103 = tpu.vector_load %arg13[%swap3A_102] {strides = array<i32>} : memref<384xf32, #tpu.memory_space<vmem>>, vector<16xf32>,
    tpu.vector_store %arg13[%swap3A_102], %broadcast_in_dim3A_0 {strides = array<i32>} : memref<384xf32, #tpu.memory_space<vmem>>, vector<16xf32>,
    %swap3A_104 = arith.constant 368 : index
    %swap3A_105 = tpu.vector_load %arg13[%swap3A_104] {strides = array<i32>} : memref<384xf32, #tpu.memory_space<vmem>>, vector<16xf32>,
    tpu.vector_store %arg13[%swap3A_104], %broadcast_in_dim3A_0 {strides = array<i32>} : memref<384xf32, #tpu.memory_space<vmem>>, vector<16xf32>,
    %broadcast_in_dim3A_106 = arith.constant 1.000000e+00 : f32
    %broadcast_in_dim3A_107 = vector.broadcast %broadcast_in_dim3A_106 : f32 to vector<16xf32>
    %dma_wait3A = arith.constant 0 : i32
    %dma_wait3A_108 = tpu.memref_slice %arg2[%mul3A_11, %dma_wait3A] : memref<64x384xf32, #tpu.memory_space<hbm>> -> memref<4x384xf32, #tpu.memory_space<hbm>>
    %dma_wait3A_109 = arith.constant 0 : i32
    %dma_wait3A_110 = tpu.memref_slice %arg2[%mul3A_11, %dma_wait3A_109] : memref<64x384xf32, #tpu.memory_space<hbm>> -> memref<4x384xf32, #tpu.memory_space<hbm>>
    tpu.wait_dma2 semaphore(%arg35 : memref<!tpu.dma_semaphore, #tpu.memory_space<semaphore_mem>>) src(%dma_wait3A_110 : memref<4x384xf32, #tpu.memory_space<hbm>>) dst(%arg10 : memref<4x384xf32, #tpu.memory_space<vmem>>)
    tpu.wait_dma2 semaphore(%arg35 : memref<!tpu.dma_semaphore, #tpu.memory_space<semaphore_mem>>) src(%arg4 : memref<96xi32, #tpu.memory_space<hbm>>) dst(%arg11 : memref<96xi32, #tpu.memory_space<vmem>>)
    %get3A = arith.constant 0 : index
    %get3A_111 = tpu.vector_load %arg11[%get3A] {strides = array<i32>} : memref<96xi32, #tpu.memory_space<vmem>>, vector<16xi32>,
    tpu.vector_store_idx %arg13[%get3A_111], %broadcast_in_dim3A_107 {add = true} : memref<384xf32, #tpu.memory_space<vmem>>[vector<16xi32>], vector<16xf32>,
    %get3A_112 = arith.constant 16 : index
    %get3A_113 = tpu.vector_load %arg11[%get3A_112] {strides = array<i32>} : memref<96xi32, #tpu.memory_space<vmem>>, vector<16xi32>,
    tpu.vector_store_idx %arg13[%get3A_113], %broadcast_in_dim3A_107 {add = true} : memref<384xf32, #tpu.memory_space<vmem>>[vector<16xi32>], vector<16xf32>,
    %get3A_114 = arith.constant 32 : index
    %get3A_115 = tpu.vector_load %arg11[%get3A_114] {strides = array<i32>} : memref<96xi32, #tpu.memory_space<vmem>>, vector<16xi32>,
    tpu.vector_store_idx %arg13[%get3A_115], %broadcast_in_dim3A_107 {add = true} : memref<384xf32, #tpu.memory_space<vmem>>[vector<16xi32>], vector<16xf32>,
    %get3A_116 = arith.constant 48 : index
    %get3A_117 = tpu.vector_load %arg11[%get3A_116] {strides = array<i32>} : memref<96xi32, #tpu.memory_space<vmem>>, vector<16xi32>,
    tpu.vector_store_idx %arg13[%get3A_117], %broadcast_in_dim3A_107 {add = true} : memref<384xf32, #tpu.memory_space<vmem>>[vector<16xi32>], vector<16xf32>,
    %get3A_118 = arith.constant 64 : index
    %get3A_119 = tpu.vector_load %arg11[%get3A_118] {strides = array<i32>} : memref<96xi32, #tpu.memory_space<vmem>>, vector<16xi32>,
    tpu.vector_store_idx %arg13[%get3A_119], %broadcast_in_dim3A_107 {add = true} : memref<384xf32, #tpu.memory_space<vmem>>[vector<16xi32>], vector<16xf32>,
    %get3A_120 = arith.constant 80 : index
    %get3A_121 = tpu.vector_load %arg11[%get3A_120] {strides = array<i32>} : memref<96xi32, #tpu.memory_space<vmem>>, vector<16xi32>,
    tpu.vector_store_idx %arg13[%get3A_121], %broadcast_in_dim3A_107 {add = true} : memref<384xf32, #tpu.memory_space<vmem>>[vector<16xi32>], vector<16xf32>,
    %parallel_loop3A = arith.constant 0 : i32
    %parallel_loop3A_122 = arith.constant 24 : i32
    %parallel_loop3A_123 = arith.constant 1 : i32
    %parallel_loop3A_124:2 = scf.for %parallel_loop3A_429 = %parallel_loop3A to %parallel_loop3A_122 step %parallel_loop3A_123 iter_args(%parallel_loop3A_430 = %broadcast_in_dim3A_0, %parallel_loop3A_431 = %broadcast_in_dim3A_0) -> (vector<16xf32>, vector<16xf32>)  : i32 {
      %parallel_loop3A_432 = arith.constant 16 : i32
      %parallel_loop3A_433 = arith.muli %parallel_loop3A_429, %parallel_loop3A_432 : i32
      %parallel_loop3A_434 = arith.constant 0 : i32
      %parallel_loop3A_435 = arith.index_cast %parallel_loop3A_434 : i32 to index
      %parallel_loop3A_436 = arith.index_cast %parallel_loop3A_433 : i32 to index
      %parallel_loop3A_437 = tpu.vector_load %arg10[%parallel_loop3A_435, %parallel_loop3A_436] {strides = array<i32>} : memref<4x384xf32, #tpu.memory_space<vmem>>, vector<16xf32>,
      %parallel_loop3A_438 = arith.addf %parallel_loop3A_430, %parallel_loop3A_437 : vector<16xf32>
      %parallel_loop3A_439 = arith.constant 16 : i32
      %parallel_loop3A_440 = arith.muli %parallel_loop3A_429, %parallel_loop3A_439 : i32
      %parallel_loop3A_441 = arith.index_cast %parallel_loop3A_440 : i32 to index
      %parallel_loop3A_442 = tpu.vector_load %arg13[%parallel_loop3A_441] {strides = array<i32>} : memref<384xf32, #tpu.memory_space<vmem>>, vector<16xf32>,
      %parallel_loop3A_443 = arith.mulf %parallel_loop3A_442, %parallel_loop3A_437 : vector<16xf32>
      %parallel_loop3A_444 = arith.addf %parallel_loop3A_431, %parallel_loop3A_443 : vector<16xf32>
      scf.yield %parallel_loop3A_438, %parallel_loop3A_444 : vector<16xf32>, vector<16xf32>
    } {sc.loop_unroll_factor = 6 : i64, sc.parallel_access}
    %reduce_sum3A = arith.constant true
    %reduce_sum3A_125 = vector.broadcast %reduce_sum3A : i1 to vector<16xi1>
    %reduce_sum3A_126 = tpu.scan <sum>, %parallel_loop3A_124#0 masked %reduce_sum3A_125 : vector<16xf32>, vector<16xi1> -> vector<16xf32>
    %reduce_sum3A_127 = vector.extract %reduce_sum3A_126[15] : f32 from vector<16xf32>
    %reduce_sum3A_128 = arith.constant true
    %reduce_sum3A_129 = vector.broadcast %reduce_sum3A_128 : i1 to vector<16xi1>
    %reduce_sum3A_130 = tpu.scan <sum>, %parallel_loop3A_124#1 masked %reduce_sum3A_129 : vector<16xf32>, vector<16xi1> -> vector<16xf32>
    %reduce_sum3A_131 = vector.extract %reduce_sum3A_130[15] : f32 from vector<16xf32>
    %broadcast_in_dim3A_132 = vector.broadcast %reduce_sum3A_131 : f32 to vector<16xf32>
    %broadcast_in_dim3A_133 = vector.broadcast %reduce_sum3A_127 : f32 to vector<16xf32>
    %div3A = arith.divf %broadcast_in_dim3A_132, %broadcast_in_dim3A_133 : vector<16xf32>
    %ge3A = arith.constant 0.899999976 : f32
    %ge3A_134 = vector.broadcast %ge3A : f32 to vector<16xf32>
    %ge3A_135 = arith.cmpf oge, %div3A, %ge3A_134 : vector<16xf32>
    %jit3A_136 = arith.constant 0.000000e+00 : f32
    %broadcast_in_dim3A_137 = vector.broadcast %jit3A_136 : f32 to vector<16xf32>
    %select_n3A_138 = arith.select %ge3A_135, %div3A, %broadcast_in_dim3A_137 : vector<16xi1>, vector<16xf32>
    %eq3A_139 = arith.constant 0 : i32
    %eq3A_140 = vector.broadcast %eq3A_139 : i32 to vector<16xi32>
    %eq3A_141 = arith.cmpi eq, %iota3A, %eq3A_140 : vector<16xi32>
    %select_n3A_142 = arith.select %eq3A_141, %div3A, %broadcast_in_dim3A_0 : vector<16xi1>, vector<16xf32>
    %eq3A_143 = arith.constant 4 : i32
    %eq3A_144 = vector.broadcast %eq3A_143 : i32 to vector<16xi32>
    %eq3A_145 = arith.cmpi eq, %iota3A, %eq3A_144 : vector<16xi32>
    %select_n3A_146 = arith.select %eq3A_145, %select_n3A_138, %select_n3A_142 : vector<16xi1>, vector<16xf32>
    %parallel_loop3A_147 = arith.constant 0 : i32
    %parallel_loop3A_148 = arith.constant 24 : i32
    %parallel_loop3A_149 = arith.constant 1 : i32
    %parallel_loop3A_150:2 = scf.for %parallel_loop3A_429 = %parallel_loop3A_147 to %parallel_loop3A_148 step %parallel_loop3A_149 iter_args(%parallel_loop3A_430 = %broadcast_in_dim3A_0, %parallel_loop3A_431 = %broadcast_in_dim3A_0) -> (vector<16xf32>, vector<16xf32>)  : i32 {
      %parallel_loop3A_432 = arith.constant 16 : i32
      %parallel_loop3A_433 = arith.muli %parallel_loop3A_429, %parallel_loop3A_432 : i32
      %parallel_loop3A_434 = arith.constant 1 : i32
      %parallel_loop3A_435 = arith.index_cast %parallel_loop3A_434 : i32 to index
      %parallel_loop3A_436 = arith.index_cast %parallel_loop3A_433 : i32 to index
      %parallel_loop3A_437 = tpu.vector_load %arg10[%parallel_loop3A_435, %parallel_loop3A_436] {strides = array<i32>} : memref<4x384xf32, #tpu.memory_space<vmem>>, vector<16xf32>,
      %parallel_loop3A_438 = arith.addf %parallel_loop3A_430, %parallel_loop3A_437 : vector<16xf32>
      %parallel_loop3A_439 = arith.constant 16 : i32
      %parallel_loop3A_440 = arith.muli %parallel_loop3A_429, %parallel_loop3A_439 : i32
      %parallel_loop3A_441 = arith.index_cast %parallel_loop3A_440 : i32 to index
      %parallel_loop3A_442 = tpu.vector_load %arg13[%parallel_loop3A_441] {strides = array<i32>} : memref<384xf32, #tpu.memory_space<vmem>>, vector<16xf32>,
      %parallel_loop3A_443 = arith.mulf %parallel_loop3A_442, %parallel_loop3A_437 : vector<16xf32>
      %parallel_loop3A_444 = arith.addf %parallel_loop3A_431, %parallel_loop3A_443 : vector<16xf32>
      scf.yield %parallel_loop3A_438, %parallel_loop3A_444 : vector<16xf32>, vector<16xf32>
    } {sc.loop_unroll_factor = 6 : i64, sc.parallel_access}
    %reduce_sum3A_151 = arith.constant true
    %reduce_sum3A_152 = vector.broadcast %reduce_sum3A_151 : i1 to vector<16xi1>
    %reduce_sum3A_153 = tpu.scan <sum>, %parallel_loop3A_150#0 masked %reduce_sum3A_152 : vector<16xf32>, vector<16xi1> -> vector<16xf32>
    %reduce_sum3A_154 = vector.extract %reduce_sum3A_153[15] : f32 from vector<16xf32>
    %reduce_sum3A_155 = arith.constant true
    %reduce_sum3A_156 = vector.broadcast %reduce_sum3A_155 : i1 to vector<16xi1>
    %reduce_sum3A_157 = tpu.scan <sum>, %parallel_loop3A_150#1 masked %reduce_sum3A_156 : vector<16xf32>, vector<16xi1> -> vector<16xf32>
    %reduce_sum3A_158 = vector.extract %reduce_sum3A_157[15] : f32 from vector<16xf32>
    %broadcast_in_dim3A_159 = vector.broadcast %reduce_sum3A_158 : f32 to vector<16xf32>
    %broadcast_in_dim3A_160 = vector.broadcast %reduce_sum3A_154 : f32 to vector<16xf32>
    %div3A_161 = arith.divf %broadcast_in_dim3A_159, %broadcast_in_dim3A_160 : vector<16xf32>
    %ge3A_162 = arith.constant 0.899999976 : f32
    %ge3A_163 = vector.broadcast %ge3A_162 : f32 to vector<16xf32>
    %ge3A_164 = arith.cmpf oge, %div3A_161, %ge3A_163 : vector<16xf32>
    %jit3A_165 = arith.constant 0.000000e+00 : f32
    %broadcast_in_dim3A_166 = vector.broadcast %jit3A_165 : f32 to vector<16xf32>
    %select_n3A_167 = arith.select %ge3A_164, %div3A_161, %broadcast_in_dim3A_166 : vector<16xi1>, vector<16xf32>
    %eq3A_168 = arith.constant 1 : i32
    %eq3A_169 = vector.broadcast %eq3A_168 : i32 to vector<16xi32>
    %eq3A_170 = arith.cmpi eq, %iota3A, %eq3A_169 : vector<16xi32>
    %select_n3A_171 = arith.select %eq3A_170, %div3A_161, %select_n3A_146 : vector<16xi1>, vector<16xf32>
    %eq3A_172 = arith.constant 5 : i32
    %eq3A_173 = vector.broadcast %eq3A_172 : i32 to vector<16xi32>
    %eq3A_174 = arith.cmpi eq, %iota3A, %eq3A_173 : vector<16xi32>
    %select_n3A_175 = arith.select %eq3A_174, %select_n3A_167, %select_n3A_171 : vector<16xi1>, vector<16xf32>
    %parallel_loop3A_176 = arith.constant 0 : i32
    %parallel_loop3A_177 = arith.constant 24 : i32
    %parallel_loop3A_178 = arith.constant 1 : i32
    %parallel_loop3A_179:2 = scf.for %parallel_loop3A_429 = %parallel_loop3A_176 to %parallel_loop3A_177 step %parallel_loop3A_178 iter_args(%parallel_loop3A_430 = %broadcast_in_dim3A_0, %parallel_loop3A_431 = %broadcast_in_dim3A_0) -> (vector<16xf32>, vector<16xf32>)  : i32 {
      %parallel_loop3A_432 = arith.constant 16 : i32
      %parallel_loop3A_433 = arith.muli %parallel_loop3A_429, %parallel_loop3A_432 : i32
      %parallel_loop3A_434 = arith.constant 2 : i32
      %parallel_loop3A_435 = arith.index_cast %parallel_loop3A_434 : i32 to index
      %parallel_loop3A_436 = arith.index_cast %parallel_loop3A_433 : i32 to index
      %parallel_loop3A_437 = tpu.vector_load %arg10[%parallel_loop3A_435, %parallel_loop3A_436] {strides = array<i32>} : memref<4x384xf32, #tpu.memory_space<vmem>>, vector<16xf32>,
      %parallel_loop3A_438 = arith.addf %parallel_loop3A_430, %parallel_loop3A_437 : vector<16xf32>
      %parallel_loop3A_439 = arith.constant 16 : i32
      %parallel_loop3A_440 = arith.muli %parallel_loop3A_429, %parallel_loop3A_439 : i32
      %parallel_loop3A_441 = arith.index_cast %parallel_loop3A_440 : i32 to index
      %parallel_loop3A_442 = tpu.vector_load %arg13[%parallel_loop3A_441] {strides = array<i32>} : memref<384xf32, #tpu.memory_space<vmem>>, vector<16xf32>,
      %parallel_loop3A_443 = arith.mulf %parallel_loop3A_442, %parallel_loop3A_437 : vector<16xf32>
      %parallel_loop3A_444 = arith.addf %parallel_loop3A_431, %parallel_loop3A_443 : vector<16xf32>
      scf.yield %parallel_loop3A_438, %parallel_loop3A_444 : vector<16xf32>, vector<16xf32>
    } {sc.loop_unroll_factor = 6 : i64, sc.parallel_access}
    %reduce_sum3A_180 = arith.constant true
    %reduce_sum3A_181 = vector.broadcast %reduce_sum3A_180 : i1 to vector<16xi1>
    %reduce_sum3A_182 = tpu.scan <sum>, %parallel_loop3A_179#0 masked %reduce_sum3A_181 : vector<16xf32>, vector<16xi1> -> vector<16xf32>
    %reduce_sum3A_183 = vector.extract %reduce_sum3A_182[15] : f32 from vector<16xf32>
    %reduce_sum3A_184 = arith.constant true
    %reduce_sum3A_185 = vector.broadcast %reduce_sum3A_184 : i1 to vector<16xi1>
    %reduce_sum3A_186 = tpu.scan <sum>, %parallel_loop3A_179#1 masked %reduce_sum3A_185 : vector<16xf32>, vector<16xi1> -> vector<16xf32>
    %reduce_sum3A_187 = vector.extract %reduce_sum3A_186[15] : f32 from vector<16xf32>
    %broadcast_in_dim3A_188 = vector.broadcast %reduce_sum3A_187 : f32 to vector<16xf32>
    %broadcast_in_dim3A_189 = vector.broadcast %reduce_sum3A_183 : f32 to vector<16xf32>
    %div3A_190 = arith.divf %broadcast_in_dim3A_188, %broadcast_in_dim3A_189 : vector<16xf32>
    %ge3A_191 = arith.constant 0.899999976 : f32
    %ge3A_192 = vector.broadcast %ge3A_191 : f32 to vector<16xf32>
    %ge3A_193 = arith.cmpf oge, %div3A_190, %ge3A_192 : vector<16xf32>
    %jit3A_194 = arith.constant 0.000000e+00 : f32
    %broadcast_in_dim3A_195 = vector.broadcast %jit3A_194 : f32 to vector<16xf32>
    %select_n3A_196 = arith.select %ge3A_193, %div3A_190, %broadcast_in_dim3A_195 : vector<16xi1>, vector<16xf32>
    %eq3A_197 = arith.constant 2 : i32
    %eq3A_198 = vector.broadcast %eq3A_197 : i32 to vector<16xi32>
    %eq3A_199 = arith.cmpi eq, %iota3A, %eq3A_198 : vector<16xi32>
    %select_n3A_200 = arith.select %eq3A_199, %div3A_190, %select_n3A_175 : vector<16xi1>, vector<16xf32>
    %eq3A_201 = arith.constant 6 : i32
    %eq3A_202 = vector.broadcast %eq3A_201 : i32 to vector<16xi32>
    %eq3A_203 = arith.cmpi eq, %iota3A, %eq3A_202 : vector<16xi32>
    %select_n3A_204 = arith.select %eq3A_203, %select_n3A_196, %select_n3A_200 : vector<16xi1>, vector<16xf32>
    %parallel_loop3A_205 = arith.constant 0 : i32
    %parallel_loop3A_206 = arith.constant 24 : i32
    %parallel_loop3A_207 = arith.constant 1 : i32
    %parallel_loop3A_208:2 = scf.for %parallel_loop3A_429 = %parallel_loop3A_205 to %parallel_loop3A_206 step %parallel_loop3A_207 iter_args(%parallel_loop3A_430 = %broadcast_in_dim3A_0, %parallel_loop3A_431 = %broadcast_in_dim3A_0) -> (vector<16xf32>, vector<16xf32>)  : i32 {
      %parallel_loop3A_432 = arith.constant 16 : i32
      %parallel_loop3A_433 = arith.muli %parallel_loop3A_429, %parallel_loop3A_432 : i32
      %parallel_loop3A_434 = arith.constant 3 : i32
      %parallel_loop3A_435 = arith.index_cast %parallel_loop3A_434 : i32 to index
      %parallel_loop3A_436 = arith.index_cast %parallel_loop3A_433 : i32 to index
      %parallel_loop3A_437 = tpu.vector_load %arg10[%parallel_loop3A_435, %parallel_loop3A_436] {strides = array<i32>} : memref<4x384xf32, #tpu.memory_space<vmem>>, vector<16xf32>,
      %parallel_loop3A_438 = arith.addf %parallel_loop3A_430, %parallel_loop3A_437 : vector<16xf32>
      %parallel_loop3A_439 = arith.constant 16 : i32
      %parallel_loop3A_440 = arith.muli %parallel_loop3A_429, %parallel_loop3A_439 : i32
      %parallel_loop3A_441 = arith.index_cast %parallel_loop3A_440 : i32 to index
      %parallel_loop3A_442 = tpu.vector_load %arg13[%parallel_loop3A_441] {strides = array<i32>} : memref<384xf32, #tpu.memory_space<vmem>>, vector<16xf32>,
      %parallel_loop3A_443 = arith.mulf %parallel_loop3A_442, %parallel_loop3A_437 : vector<16xf32>
      %parallel_loop3A_444 = arith.addf %parallel_loop3A_431, %parallel_loop3A_443 : vector<16xf32>
      scf.yield %parallel_loop3A_438, %parallel_loop3A_444 : vector<16xf32>, vector<16xf32>
    } {sc.loop_unroll_factor = 6 : i64, sc.parallel_access}
    %reduce_sum3A_209 = arith.constant true
    %reduce_sum3A_210 = vector.broadcast %reduce_sum3A_209 : i1 to vector<16xi1>
    %reduce_sum3A_211 = tpu.scan <sum>, %parallel_loop3A_208#0 masked %reduce_sum3A_210 : vector<16xf32>, vector<16xi1> -> vector<16xf32>
    %reduce_sum3A_212 = vector.extract %reduce_sum3A_211[15] : f32 from vector<16xf32>
    %reduce_sum3A_213 = arith.constant true
    %reduce_sum3A_214 = vector.broadcast %reduce_sum3A_213 : i1 to vector<16xi1>
    %reduce_sum3A_215 = tpu.scan <sum>, %parallel_loop3A_208#1 masked %reduce_sum3A_214 : vector<16xf32>, vector<16xi1> -> vector<16xf32>
    %reduce_sum3A_216 = vector.extract %reduce_sum3A_215[15] : f32 from vector<16xf32>
    %broadcast_in_dim3A_217 = vector.broadcast %reduce_sum3A_216 : f32 to vector<16xf32>
    %broadcast_in_dim3A_218 = vector.broadcast %reduce_sum3A_212 : f32 to vector<16xf32>
    %div3A_219 = arith.divf %broadcast_in_dim3A_217, %broadcast_in_dim3A_218 : vector<16xf32>
    %ge3A_220 = arith.constant 0.899999976 : f32
    %ge3A_221 = vector.broadcast %ge3A_220 : f32 to vector<16xf32>
    %ge3A_222 = arith.cmpf oge, %div3A_219, %ge3A_221 : vector<16xf32>
    %jit3A_223 = arith.constant 0.000000e+00 : f32
    %broadcast_in_dim3A_224 = vector.broadcast %jit3A_223 : f32 to vector<16xf32>
    %select_n3A_225 = arith.select %ge3A_222, %div3A_219, %broadcast_in_dim3A_224 : vector<16xi1>, vector<16xf32>
    %eq3A_226 = arith.constant 3 : i32
    %eq3A_227 = vector.broadcast %eq3A_226 : i32 to vector<16xi32>
    %eq3A_228 = arith.cmpi eq, %iota3A, %eq3A_227 : vector<16xi32>
    %select_n3A_229 = arith.select %eq3A_228, %div3A_219, %select_n3A_204 : vector<16xi1>, vector<16xf32>
    %eq3A_230 = arith.constant 7 : i32
    %eq3A_231 = vector.broadcast %eq3A_230 : i32 to vector<16xi32>
    %eq3A_232 = arith.cmpi eq, %iota3A, %eq3A_231 : vector<16xi32>
    %select_n3A_233 = arith.select %eq3A_232, %select_n3A_225, %select_n3A_229 : vector<16xi1>, vector<16xf32>
    %swap3A_234 = arith.constant 0 : index
    %swap3A_235 = tpu.vector_load %arg14[%swap3A_234] {strides = array<i32>} : memref<16xf32, #tpu.memory_space<vmem>>, vector<16xf32>,
    tpu.vector_store %arg14[%swap3A_234], %select_n3A_233 {strides = array<i32>} : memref<16xf32, #tpu.memory_space<vmem>>, vector<16xf32>,
    %mul3A_236 = arith.constant 16 : i32
    %mul3A_237 = arith.muli %arg1, %mul3A_236 : i32
    "tpu.region"() ({
      %run_scoped3A = tpu.sem_alloc : memref<!tpu.dma_semaphore, #tpu.memory_space<semaphore_mem>>
      %dma_start3A_429 = tpu.memref_slice %arg26[%mul3A_237] : memref<256xf32, #tpu.memory_space<vmem_shared>> -> memref<16xf32, #tpu.memory_space<vmem_shared>>
      %dma_start3A_430 = tpu.memref_slice %arg26[%mul3A_237] : memref<256xf32, #tpu.memory_space<vmem_shared>> -> memref<16xf32, #tpu.memory_space<vmem_shared>>
      tpu.enqueue_dma source(%arg14 : memref<16xf32, #tpu.memory_space<vmem>>) target(%dma_start3A_430 : memref<16xf32, #tpu.memory_space<vmem_shared>>) target_semaphore(%run_scoped3A : memref<!tpu.dma_semaphore, #tpu.memory_space<semaphore_mem>>)
      %dma_wait3A_431 = tpu.memref_slice %arg26[%mul3A_237] : memref<256xf32, #tpu.memory_space<vmem_shared>> -> memref<16xf32, #tpu.memory_space<vmem_shared>>
      %dma_wait3A_432 = tpu.memref_slice %arg26[%mul3A_237] : memref<256xf32, #tpu.memory_space<vmem_shared>> -> memref<16xf32, #tpu.memory_space<vmem_shared>>
      tpu.wait_dma2 semaphore(%run_scoped3A : memref<!tpu.dma_semaphore, #tpu.memory_space<semaphore_mem>>) src(%arg14 : memref<16xf32, #tpu.memory_space<vmem>>) dst(%dma_wait3A_432 : memref<16xf32, #tpu.memory_space<vmem_shared>>)
      tpu.yield
    }) : () -> ()
    %barrier3A = arith.constant 0 : index
    tpu.barrier barrier_id(%barrier3A)
    "tpu.region"() ({
      %run_scoped3A = tpu.sem_alloc : memref<!tpu.dma_semaphore, #tpu.memory_space<semaphore_mem>>
      tpu.enqueue_dma source(%arg26 : memref<256xf32, #tpu.memory_space<vmem_shared>>) target(%arg15 : memref<256xf32, #tpu.memory_space<vmem>>) target_semaphore(%run_scoped3A : memref<!tpu.dma_semaphore, #tpu.memory_space<semaphore_mem>>)
      tpu.wait_dma2 semaphore(%run_scoped3A : memref<!tpu.dma_semaphore, #tpu.memory_space<semaphore_mem>>) src(%arg26 : memref<256xf32, #tpu.memory_space<vmem_shared>>) dst(%arg15 : memref<256xf32, #tpu.memory_space<vmem>>)
      tpu.yield
    }) : () -> ()
    %add3A_238 = arith.constant 0 : i32
    %add3A_239 = vector.broadcast %add3A_238 : i32 to vector<16xi32>
    %add3A_240 = arith.addi %add3A_239, %iota3A : vector<16xi32>
    %shift_right_arithmetic3A = arith.constant 2 : i32
    %shift_right_arithmetic3A_241 = vector.broadcast %shift_right_arithmetic3A : i32 to vector<16xi32>
    %shift_right_arithmetic3A_242 = arith.shrsi %add3A_240, %shift_right_arithmetic3A_241 : vector<16xi32>
    %mul3A_243 = arith.constant 16 : i32
    %mul3A_244 = vector.broadcast %mul3A_243 : i32 to vector<16xi32>
    %mul3A_245 = arith.muli %shift_right_arithmetic3A_242, %mul3A_244 : vector<16xi32>
    %add3A_246 = arith.constant 4 : i32
    %add3A_247 = vector.broadcast %add3A_246 : i32 to vector<16xi32>
    %add3A_248 = arith.addi %mul3A_245, %add3A_247 : vector<16xi32>
    %and3A_249 = arith.constant 3 : i32
    %and3A_250 = vector.broadcast %and3A_249 : i32 to vector<16xi32>
    %and3A_251 = arith.andi %add3A_240, %and3A_250 : vector<16xi32>
    %add3A_252 = arith.addi %add3A_248, %and3A_251 : vector<16xi32>
    %gather3A = tpu.vector_load_idx %arg15[%add3A_252] : memref<256xf32, #tpu.memory_space<vmem>>[vector<16xi32>], vector<16xf32>,
    %swap3A_253 = arith.constant 0 : index
    %swap3A_254 = tpu.vector_load %arg17[%swap3A_253] {strides = array<i32>} : memref<64xf32, #tpu.memory_space<vmem>>, vector<16xf32>,
    tpu.vector_store %arg17[%swap3A_253], %gather3A {strides = array<i32>} : memref<64xf32, #tpu.memory_space<vmem>>, vector<16xf32>,
    %add3A_255 = arith.constant 16 : i32
    %add3A_256 = vector.broadcast %add3A_255 : i32 to vector<16xi32>
    %add3A_257 = arith.addi %add3A_256, %iota3A : vector<16xi32>
    %shift_right_arithmetic3A_258 = arith.constant 2 : i32
    %shift_right_arithmetic3A_259 = vector.broadcast %shift_right_arithmetic3A_258 : i32 to vector<16xi32>
    %shift_right_arithmetic3A_260 = arith.shrsi %add3A_257, %shift_right_arithmetic3A_259 : vector<16xi32>
    %mul3A_261 = arith.constant 16 : i32
    %mul3A_262 = vector.broadcast %mul3A_261 : i32 to vector<16xi32>
    %mul3A_263 = arith.muli %shift_right_arithmetic3A_260, %mul3A_262 : vector<16xi32>
    %add3A_264 = arith.constant 4 : i32
    %add3A_265 = vector.broadcast %add3A_264 : i32 to vector<16xi32>
    %add3A_266 = arith.addi %mul3A_263, %add3A_265 : vector<16xi32>
    %and3A_267 = arith.constant 3 : i32
    %and3A_268 = vector.broadcast %and3A_267 : i32 to vector<16xi32>
    %and3A_269 = arith.andi %add3A_257, %and3A_268 : vector<16xi32>
    %add3A_270 = arith.addi %add3A_266, %and3A_269 : vector<16xi32>
    %gather3A_271 = tpu.vector_load_idx %arg15[%add3A_270] : memref<256xf32, #tpu.memory_space<vmem>>[vector<16xi32>], vector<16xf32>,
    %swap3A_272 = arith.constant 16 : index
    %swap3A_273 = tpu.vector_load %arg17[%swap3A_272] {strides = array<i32>} : memref<64xf32, #tpu.memory_space<vmem>>, vector<16xf32>,
    tpu.vector_store %arg17[%swap3A_272], %gather3A_271 {strides = array<i32>} : memref<64xf32, #tpu.memory_space<vmem>>, vector<16xf32>,
    %add3A_274 = arith.constant 32 : i32
    %add3A_275 = vector.broadcast %add3A_274 : i32 to vector<16xi32>
    %add3A_276 = arith.addi %add3A_275, %iota3A : vector<16xi32>
    %shift_right_arithmetic3A_277 = arith.constant 2 : i32
    %shift_right_arithmetic3A_278 = vector.broadcast %shift_right_arithmetic3A_277 : i32 to vector<16xi32>
    %shift_right_arithmetic3A_279 = arith.shrsi %add3A_276, %shift_right_arithmetic3A_278 : vector<16xi32>
    %mul3A_280 = arith.constant 16 : i32
    %mul3A_281 = vector.broadcast %mul3A_280 : i32 to vector<16xi32>
    %mul3A_282 = arith.muli %shift_right_arithmetic3A_279, %mul3A_281 : vector<16xi32>
    %add3A_283 = arith.constant 4 : i32
    %add3A_284 = vector.broadcast %add3A_283 : i32 to vector<16xi32>
    %add3A_285 = arith.addi %mul3A_282, %add3A_284 : vector<16xi32>
    %and3A_286 = arith.constant 3 : i32
    %and3A_287 = vector.broadcast %and3A_286 : i32 to vector<16xi32>
    %and3A_288 = arith.andi %add3A_276, %and3A_287 : vector<16xi32>
    %add3A_289 = arith.addi %add3A_285, %and3A_288 : vector<16xi32>
    %gather3A_290 = tpu.vector_load_idx %arg15[%add3A_289] : memref<256xf32, #tpu.memory_space<vmem>>[vector<16xi32>], vector<16xf32>,
    %swap3A_291 = arith.constant 32 : index
    %swap3A_292 = tpu.vector_load %arg17[%swap3A_291] {strides = array<i32>} : memref<64xf32, #tpu.memory_space<vmem>>, vector<16xf32>,
    tpu.vector_store %arg17[%swap3A_291], %gather3A_290 {strides = array<i32>} : memref<64xf32, #tpu.memory_space<vmem>>, vector<16xf32>,
    %add3A_293 = arith.constant 48 : i32
    %add3A_294 = vector.broadcast %add3A_293 : i32 to vector<16xi32>
    %add3A_295 = arith.addi %add3A_294, %iota3A : vector<16xi32>
    %shift_right_arithmetic3A_296 = arith.constant 2 : i32
    %shift_right_arithmetic3A_297 = vector.broadcast %shift_right_arithmetic3A_296 : i32 to vector<16xi32>
    %shift_right_arithmetic3A_298 = arith.shrsi %add3A_295, %shift_right_arithmetic3A_297 : vector<16xi32>
    %mul3A_299 = arith.constant 16 : i32
    %mul3A_300 = vector.broadcast %mul3A_299 : i32 to vector<16xi32>
    %mul3A_301 = arith.muli %shift_right_arithmetic3A_298, %mul3A_300 : vector<16xi32>
    %add3A_302 = arith.constant 4 : i32
    %add3A_303 = vector.broadcast %add3A_302 : i32 to vector<16xi32>
    %add3A_304 = arith.addi %mul3A_301, %add3A_303 : vector<16xi32>
    %and3A_305 = arith.constant 3 : i32
    %and3A_306 = vector.broadcast %and3A_305 : i32 to vector<16xi32>
    %and3A_307 = arith.andi %add3A_295, %and3A_306 : vector<16xi32>
    %add3A_308 = arith.addi %add3A_304, %and3A_307 : vector<16xi32>
    %gather3A_309 = tpu.vector_load_idx %arg15[%add3A_308] : memref<256xf32, #tpu.memory_space<vmem>>[vector<16xi32>], vector<16xf32>,
    %swap3A_310 = arith.constant 48 : index
    %swap3A_311 = tpu.vector_load %arg17[%swap3A_310] {strides = array<i32>} : memref<64xf32, #tpu.memory_space<vmem>>, vector<16xf32>,
    tpu.vector_store %arg17[%swap3A_310], %gather3A_309 {strides = array<i32>} : memref<64xf32, #tpu.memory_space<vmem>>, vector<16xf32>,
    %eq3A_312 = arith.constant 0 : i32
    %eq3A_313 = arith.cmpi eq, %arg1, %eq3A_312 : i32
    %eq3A_314 = arith.constant 0 : i32
    %eq3A_315 = arith.cmpi eq, %arg0, %eq3A_314 : i32
    %and3A_316 = arith.andi %eq3A_313, %eq3A_315 : i1
    %convert_element_type3A_317 = arith.extui %and3A_316 : i1 to i32
    %cond3A_318 = arith.constant 0 : i32
    %cond3A_319 = arith.cmpi ne, %convert_element_type3A_317, %cond3A_318 : i32
    scf.if %cond3A_319 {
      %add3A_429 = arith.constant 0 : i32
      %add3A_430 = vector.broadcast %add3A_429 : i32 to vector<16xi32>
      %add3A_431 = arith.addi %add3A_430, %iota3A : vector<16xi32>
      %shift_right_arithmetic3A_432 = arith.constant 2 : i32
      %shift_right_arithmetic3A_433 = vector.broadcast %shift_right_arithmetic3A_432 : i32 to vector<16xi32>
      %shift_right_arithmetic3A_434 = arith.shrsi %add3A_431, %shift_right_arithmetic3A_433 : vector<16xi32>
      %mul3A_435 = arith.constant 16 : i32
      %mul3A_436 = vector.broadcast %mul3A_435 : i32 to vector<16xi32>
      %mul3A_437 = arith.muli %shift_right_arithmetic3A_434, %mul3A_436 : vector<16xi32>
      %and3A_438 = arith.constant 3 : i32
      %and3A_439 = vector.broadcast %and3A_438 : i32 to vector<16xi32>
      %and3A_440 = arith.andi %add3A_431, %and3A_439 : vector<16xi32>
      %add3A_441 = arith.addi %mul3A_437, %and3A_440 : vector<16xi32>
      %gather3A_442 = tpu.vector_load_idx %arg15[%add3A_441] : memref<256xf32, #tpu.memory_space<vmem>>[vector<16xi32>], vector<16xf32>,
      %ge3A_443 = arith.constant 0.899999976 : f32
      %ge3A_444 = vector.broadcast %ge3A_443 : f32 to vector<16xf32>
      %ge3A_445 = arith.cmpf oge, %gather3A_442, %ge3A_444 : vector<16xf32>
      %get3A_446 = arith.constant 0 : index
      %get3A_447 = tpu.vector_load %arg12[%get3A_446] {strides = array<i32>} : memref<64xi32, #tpu.memory_space<vmem>>, vector<16xi32>,
      %jit3A_448 = arith.constant 0 : i32
      %broadcast_in_dim3A_449 = vector.broadcast %jit3A_448 : i32 to vector<16xi32>
      %select_n3A_450 = arith.select %ge3A_445, %get3A_447, %broadcast_in_dim3A_449 : vector<16xi1>, vector<16xi32>
      %reduce_sum3A_451 = arith.constant true
      %reduce_sum3A_452 = vector.broadcast %reduce_sum3A_451 : i1 to vector<16xi1>
      %reduce_sum3A_453 = tpu.scan <sum>, %select_n3A_450 masked %reduce_sum3A_452 : vector<16xi32>, vector<16xi1> -> vector<16xi32>
      %reduce_sum3A_454 = vector.extract %reduce_sum3A_453[15] : i32 from vector<16xi32>
      %add3A_455 = arith.constant 0 : i32
      %add3A_456 = arith.addi %add3A_455, %reduce_sum3A_454 : i32
      %swap3A_457 = arith.constant 0 : index
      %swap3A_458 = tpu.vector_load %arg16[%swap3A_457] {strides = array<i32>} : memref<144xf32, #tpu.memory_space<vmem>>, vector<16xf32>,
      tpu.vector_store %arg16[%swap3A_457], %gather3A_442 {strides = array<i32>} : memref<144xf32, #tpu.memory_space<vmem>>, vector<16xf32>,
      %jit3A_459 = arith.constant 1.000000e+00 : f32
      %jit3A_460 = arith.constant 0.000000e+00 : f32
      %broadcast_in_dim3A_461 = vector.broadcast %jit3A_459 : f32 to vector<16xf32>
      %broadcast_in_dim3A_462 = vector.broadcast %jit3A_460 : f32 to vector<16xf32>
      %select_n3A_463 = arith.select %ge3A_445, %broadcast_in_dim3A_461, %broadcast_in_dim3A_462 : vector<16xi1>, vector<16xf32>
      %swap3A_464 = arith.constant 64 : index
      %swap3A_465 = tpu.vector_load %arg16[%swap3A_464] {strides = array<i32>} : memref<144xf32, #tpu.memory_space<vmem>>, vector<16xf32>,
      tpu.vector_store %arg16[%swap3A_464], %select_n3A_463 {strides = array<i32>} : memref<144xf32, #tpu.memory_space<vmem>>, vector<16xf32>,
      %add3A_466 = arith.constant 16 : i32
      %add3A_467 = vector.broadcast %add3A_466 : i32 to vector<16xi32>
      %add3A_468 = arith.addi %add3A_467, %iota3A : vector<16xi32>
      %shift_right_arithmetic3A_469 = arith.constant 2 : i32
      %shift_right_arithmetic3A_470 = vector.broadcast %shift_right_arithmetic3A_469 : i32 to vector<16xi32>
      %shift_right_arithmetic3A_471 = arith.shrsi %add3A_468, %shift_right_arithmetic3A_470 : vector<16xi32>
      %mul3A_472 = arith.constant 16 : i32
      %mul3A_473 = vector.broadcast %mul3A_472 : i32 to vector<16xi32>
      %mul3A_474 = arith.muli %shift_right_arithmetic3A_471, %mul3A_473 : vector<16xi32>
      %and3A_475 = arith.constant 3 : i32
      %and3A_476 = vector.broadcast %and3A_475 : i32 to vector<16xi32>
      %and3A_477 = arith.andi %add3A_468, %and3A_476 : vector<16xi32>
      %add3A_478 = arith.addi %mul3A_474, %and3A_477 : vector<16xi32>
      %gather3A_479 = tpu.vector_load_idx %arg15[%add3A_478] : memref<256xf32, #tpu.memory_space<vmem>>[vector<16xi32>], vector<16xf32>,
      %ge3A_480 = arith.constant 0.899999976 : f32
      %ge3A_481 = vector.broadcast %ge3A_480 : f32 to vector<16xf32>
      %ge3A_482 = arith.cmpf oge, %gather3A_479, %ge3A_481 : vector<16xf32>
      %get3A_483 = arith.constant 16 : index
      %get3A_484 = tpu.vector_load %arg12[%get3A_483] {strides = array<i32>} : memref<64xi32, #tpu.memory_space<vmem>>, vector<16xi32>,
      %jit3A_485 = arith.constant 0 : i32
      %broadcast_in_dim3A_486 = vector.broadcast %jit3A_485 : i32 to vector<16xi32>
      %select_n3A_487 = arith.select %ge3A_482, %get3A_484, %broadcast_in_dim3A_486 : vector<16xi1>, vector<16xi32>
      %reduce_sum3A_488 = arith.constant true
      %reduce_sum3A_489 = vector.broadcast %reduce_sum3A_488 : i1 to vector<16xi1>
      %reduce_sum3A_490 = tpu.scan <sum>, %select_n3A_487 masked %reduce_sum3A_489 : vector<16xi32>, vector<16xi1> -> vector<16xi32>
      %reduce_sum3A_491 = vector.extract %reduce_sum3A_490[15] : i32 from vector<16xi32>
      %add3A_492 = arith.addi %add3A_456, %reduce_sum3A_491 : i32
      %swap3A_493 = arith.constant 16 : index
      %swap3A_494 = tpu.vector_load %arg16[%swap3A_493] {strides = array<i32>} : memref<144xf32, #tpu.memory_space<vmem>>, vector<16xf32>,
      tpu.vector_store %arg16[%swap3A_493], %gather3A_479 {strides = array<i32>} : memref<144xf32, #tpu.memory_space<vmem>>, vector<16xf32>,
      %jit3A_495 = arith.constant 1.000000e+00 : f32
      %jit3A_496 = arith.constant 0.000000e+00 : f32
      %broadcast_in_dim3A_497 = vector.broadcast %jit3A_495 : f32 to vector<16xf32>
      %broadcast_in_dim3A_498 = vector.broadcast %jit3A_496 : f32 to vector<16xf32>
      %select_n3A_499 = arith.select %ge3A_482, %broadcast_in_dim3A_497, %broadcast_in_dim3A_498 : vector<16xi1>, vector<16xf32>
      %swap3A_500 = arith.constant 80 : index
      %swap3A_501 = tpu.vector_load %arg16[%swap3A_500] {strides = array<i32>} : memref<144xf32, #tpu.memory_space<vmem>>, vector<16xf32>,
      tpu.vector_store %arg16[%swap3A_500], %select_n3A_499 {strides = array<i32>} : memref<144xf32, #tpu.memory_space<vmem>>, vector<16xf32>,
      %add3A_502 = arith.constant 32 : i32
      %add3A_503 = vector.broadcast %add3A_502 : i32 to vector<16xi32>
      %add3A_504 = arith.addi %add3A_503, %iota3A : vector<16xi32>
      %shift_right_arithmetic3A_505 = arith.constant 2 : i32
      %shift_right_arithmetic3A_506 = vector.broadcast %shift_right_arithmetic3A_505 : i32 to vector<16xi32>
      %shift_right_arithmetic3A_507 = arith.shrsi %add3A_504, %shift_right_arithmetic3A_506 : vector<16xi32>
      %mul3A_508 = arith.constant 16 : i32
      %mul3A_509 = vector.broadcast %mul3A_508 : i32 to vector<16xi32>
      %mul3A_510 = arith.muli %shift_right_arithmetic3A_507, %mul3A_509 : vector<16xi32>
      %and3A_511 = arith.constant 3 : i32
      %and3A_512 = vector.broadcast %and3A_511 : i32 to vector<16xi32>
      %and3A_513 = arith.andi %add3A_504, %and3A_512 : vector<16xi32>
      %add3A_514 = arith.addi %mul3A_510, %and3A_513 : vector<16xi32>
      %gather3A_515 = tpu.vector_load_idx %arg15[%add3A_514] : memref<256xf32, #tpu.memory_space<vmem>>[vector<16xi32>], vector<16xf32>,
      %ge3A_516 = arith.constant 0.899999976 : f32
      %ge3A_517 = vector.broadcast %ge3A_516 : f32 to vector<16xf32>
      %ge3A_518 = arith.cmpf oge, %gather3A_515, %ge3A_517 : vector<16xf32>
      %get3A_519 = arith.constant 32 : index
      %get3A_520 = tpu.vector_load %arg12[%get3A_519] {strides = array<i32>} : memref<64xi32, #tpu.memory_space<vmem>>, vector<16xi32>,
      %jit3A_521 = arith.constant 0 : i32
      %broadcast_in_dim3A_522 = vector.broadcast %jit3A_521 : i32 to vector<16xi32>
      %select_n3A_523 = arith.select %ge3A_518, %get3A_520, %broadcast_in_dim3A_522 : vector<16xi1>, vector<16xi32>
      %reduce_sum3A_524 = arith.constant true
      %reduce_sum3A_525 = vector.broadcast %reduce_sum3A_524 : i1 to vector<16xi1>
      %reduce_sum3A_526 = tpu.scan <sum>, %select_n3A_523 masked %reduce_sum3A_525 : vector<16xi32>, vector<16xi1> -> vector<16xi32>
      %reduce_sum3A_527 = vector.extract %reduce_sum3A_526[15] : i32 from vector<16xi32>
      %add3A_528 = arith.addi %add3A_492, %reduce_sum3A_527 : i32
      %swap3A_529 = arith.constant 32 : index
      %swap3A_530 = tpu.vector_load %arg16[%swap3A_529] {strides = array<i32>} : memref<144xf32, #tpu.memory_space<vmem>>, vector<16xf32>,
      tpu.vector_store %arg16[%swap3A_529], %gather3A_515 {strides = array<i32>} : memref<144xf32, #tpu.memory_space<vmem>>, vector<16xf32>,
      %jit3A_531 = arith.constant 1.000000e+00 : f32
      %jit3A_532 = arith.constant 0.000000e+00 : f32
      %broadcast_in_dim3A_533 = vector.broadcast %jit3A_531 : f32 to vector<16xf32>
      %broadcast_in_dim3A_534 = vector.broadcast %jit3A_532 : f32 to vector<16xf32>
      %select_n3A_535 = arith.select %ge3A_518, %broadcast_in_dim3A_533, %broadcast_in_dim3A_534 : vector<16xi1>, vector<16xf32>
      %swap3A_536 = arith.constant 96 : index
      %swap3A_537 = tpu.vector_load %arg16[%swap3A_536] {strides = array<i32>} : memref<144xf32, #tpu.memory_space<vmem>>, vector<16xf32>,
      tpu.vector_store %arg16[%swap3A_536], %select_n3A_535 {strides = array<i32>} : memref<144xf32, #tpu.memory_space<vmem>>, vector<16xf32>,
      %add3A_538 = arith.constant 48 : i32
      %add3A_539 = vector.broadcast %add3A_538 : i32 to vector<16xi32>
      %add3A_540 = arith.addi %add3A_539, %iota3A : vector<16xi32>
      %shift_right_arithmetic3A_541 = arith.constant 2 : i32
      %shift_right_arithmetic3A_542 = vector.broadcast %shift_right_arithmetic3A_541 : i32 to vector<16xi32>
      %shift_right_arithmetic3A_543 = arith.shrsi %add3A_540, %shift_right_arithmetic3A_542 : vector<16xi32>
      %mul3A_544 = arith.constant 16 : i32
      %mul3A_545 = vector.broadcast %mul3A_544 : i32 to vector<16xi32>
      %mul3A_546 = arith.muli %shift_right_arithmetic3A_543, %mul3A_545 : vector<16xi32>
      %and3A_547 = arith.constant 3 : i32
      %and3A_548 = vector.broadcast %and3A_547 : i32 to vector<16xi32>
      %and3A_549 = arith.andi %add3A_540, %and3A_548 : vector<16xi32>
      %add3A_550 = arith.addi %mul3A_546, %and3A_549 : vector<16xi32>
      %gather3A_551 = tpu.vector_load_idx %arg15[%add3A_550] : memref<256xf32, #tpu.memory_space<vmem>>[vector<16xi32>], vector<16xf32>,
      %ge3A_552 = arith.constant 0.899999976 : f32
      %ge3A_553 = vector.broadcast %ge3A_552 : f32 to vector<16xf32>
      %ge3A_554 = arith.cmpf oge, %gather3A_551, %ge3A_553 : vector<16xf32>
      %get3A_555 = arith.constant 48 : index
      %get3A_556 = tpu.vector_load %arg12[%get3A_555] {strides = array<i32>} : memref<64xi32, #tpu.memory_space<vmem>>, vector<16xi32>,
      %jit3A_557 = arith.constant 0 : i32
      %broadcast_in_dim3A_558 = vector.broadcast %jit3A_557 : i32 to vector<16xi32>
      %select_n3A_559 = arith.select %ge3A_554, %get3A_556, %broadcast_in_dim3A_558 : vector<16xi1>, vector<16xi32>
      %reduce_sum3A_560 = arith.constant true
      %reduce_sum3A_561 = vector.broadcast %reduce_sum3A_560 : i1 to vector<16xi1>
      %reduce_sum3A_562 = tpu.scan <sum>, %select_n3A_559 masked %reduce_sum3A_561 : vector<16xi32>, vector<16xi1> -> vector<16xi32>
      %reduce_sum3A_563 = vector.extract %reduce_sum3A_562[15] : i32 from vector<16xi32>
      %add3A_564 = arith.addi %add3A_528, %reduce_sum3A_563 : i32
      %swap3A_565 = arith.constant 48 : index
      %swap3A_566 = tpu.vector_load %arg16[%swap3A_565] {strides = array<i32>} : memref<144xf32, #tpu.memory_space<vmem>>, vector<16xf32>,
      tpu.vector_store %arg16[%swap3A_565], %gather3A_551 {strides = array<i32>} : memref<144xf32, #tpu.memory_space<vmem>>, vector<16xf32>,
      %jit3A_567 = arith.constant 1.000000e+00 : f32
      %jit3A_568 = arith.constant 0.000000e+00 : f32
      %broadcast_in_dim3A_569 = vector.broadcast %jit3A_567 : f32 to vector<16xf32>
      %broadcast_in_dim3A_570 = vector.broadcast %jit3A_568 : f32 to vector<16xf32>
      %select_n3A_571 = arith.select %ge3A_554, %broadcast_in_dim3A_569, %broadcast_in_dim3A_570 : vector<16xi1>, vector<16xf32>
      %swap3A_572 = arith.constant 112 : index
      %swap3A_573 = tpu.vector_load %arg16[%swap3A_572] {strides = array<i32>} : memref<144xf32, #tpu.memory_space<vmem>>, vector<16xf32>,
      tpu.vector_store %arg16[%swap3A_572], %select_n3A_571 {strides = array<i32>} : memref<144xf32, #tpu.memory_space<vmem>>, vector<16xf32>,
      %broadcast_in_dim3A_574 = vector.broadcast %add3A_564 : i32 to vector<16xi32>
      %convert_element_type3A_575 = arith.sitofp %broadcast_in_dim3A_574 : vector<16xi32> to vector<16xf32>
      %swap3A_576 = arith.constant 128 : index
      %swap3A_577 = tpu.vector_load %arg16[%swap3A_576] {strides = array<i32>} : memref<144xf32, #tpu.memory_space<vmem>>, vector<16xf32>,
      tpu.vector_store %arg16[%swap3A_576], %convert_element_type3A_575 {strides = array<i32>} : memref<144xf32, #tpu.memory_space<vmem>>, vector<16xf32>,
    } else {
    }
    %dma_wait3A_320 = arith.constant 0 : i32
    %dma_wait3A_321 = tpu.memref_slice %arg18[%dma_wait3A_320] : memref<8192xi32, #tpu.memory_space<vmem>> -> memref<8192xi32, #tpu.memory_space<vmem>>
    %dma_wait3A_322 = tpu.memref_slice %arg3[%mul3A_18] : memref<1000000xi32, #tpu.memory_space<hbm>> -> memref<8192xi32, #tpu.memory_space<hbm>>
    %dma_wait3A_323 = arith.constant 0 : i32
    %dma_wait3A_324 = tpu.memref_slice %arg18[%dma_wait3A_323] : memref<8192xi32, #tpu.memory_space<vmem>> -> memref<8192xi32, #tpu.memory_space<vmem>>
    %dma_wait3A_325 = tpu.memref_slice %arg3[%mul3A_18] : memref<1000000xi32, #tpu.memory_space<hbm>> -> memref<8192xi32, #tpu.memory_space<hbm>>
    tpu.wait_dma2 semaphore(%arg27 : memref<!tpu.dma_semaphore, #tpu.memory_space<semaphore_mem>>) src(%dma_wait3A_325 : memref<8192xi32, #tpu.memory_space<hbm>>) dst(%dma_wait3A_324 : memref<8192xi32, #tpu.memory_space<vmem>>)
    %parallel_loop3A_326 = arith.constant 0 : i32
    %parallel_loop3A_327 = arith.constant 512 : i32
    %parallel_loop3A_328 = arith.constant 1 : i32
    scf.for %parallel_loop3A_429 = %parallel_loop3A_326 to %parallel_loop3A_327 step %parallel_loop3A_328  : i32 {
      %parallel_loop3A_430 = arith.constant 16 : i32
      %parallel_loop3A_431 = arith.muli %parallel_loop3A_429, %parallel_loop3A_430 : i32
      %parallel_loop3A_432 = arith.index_cast %parallel_loop3A_431 : i32 to index
      %parallel_loop3A_433 = tpu.vector_load %arg18[%parallel_loop3A_432] {strides = array<i32>} : memref<8192xi32, #tpu.memory_space<vmem>>, vector<16xi32>,
      %parallel_loop3A_434 = tpu.vector_load_idx %arg17[%parallel_loop3A_433] : memref<64xf32, #tpu.memory_space<vmem>>[vector<16xi32>], vector<16xf32>,
      %parallel_loop3A_435 = arith.index_cast %parallel_loop3A_431 : i32 to index
      %parallel_loop3A_436 = tpu.vector_load %arg22[%parallel_loop3A_435] {strides = array<i32>} : memref<8192xf32, #tpu.memory_space<vmem>>, vector<16xf32>,
      tpu.vector_store %arg22[%parallel_loop3A_435], %parallel_loop3A_434 {strides = array<i32>} : memref<8192xf32, #tpu.memory_space<vmem>>, vector<16xf32>,
    } {sc.loop_unroll_factor = 8 : i64, sc.parallel_access}
    %add3A_329 = arith.constant 0 : i32
    %add3A_330 = arith.addi %add3A_9, %add3A_329 : i32
    %mul3A_331 = arith.constant 16 : i32
    %mul3A_332 = arith.muli %add3A_330, %mul3A_331 : i32
    %dma_start3A_333 = arith.constant 0 : i32
    %dma_start3A_334 = tpu.memref_slice %arg22[%dma_start3A_333] : memref<8192xf32, #tpu.memory_space<vmem>> -> memref<8192xf32, #tpu.memory_space<vmem>>
    %dma_start3A_335 = tpu.memref_slice %arg9[%mul3A_332] : memref<1000000xf32, #tpu.memory_space<hbm>> -> memref<8192xf32, #tpu.memory_space<hbm>>
    %dma_start3A_336 = tpu.memref_slice %arg9[%mul3A_332] : memref<1000000xf32, #tpu.memory_space<hbm>> -> memref<8192xf32, #tpu.memory_space<hbm>>
    %dma_start3A_337 = arith.constant 0 : i32
    %dma_start3A_338 = tpu.memref_slice %arg22[%dma_start3A_337] : memref<8192xf32, #tpu.memory_space<vmem>> -> memref<8192xf32, #tpu.memory_space<vmem>>
    tpu.enqueue_dma source(%dma_start3A_338 : memref<8192xf32, #tpu.memory_space<vmem>>) target(%dma_start3A_336 : memref<8192xf32, #tpu.memory_space<hbm>>) target_semaphore(%arg31 : memref<!tpu.dma_semaphore, #tpu.memory_space<semaphore_mem>>)
    %dma_wait3A_339 = arith.constant 0 : i32
    %dma_wait3A_340 = tpu.memref_slice %arg19[%dma_wait3A_339] : memref<8192xi32, #tpu.memory_space<vmem>> -> memref<8192xi32, #tpu.memory_space<vmem>>
    %dma_wait3A_341 = tpu.memref_slice %arg3[%mul3A_28] : memref<1000000xi32, #tpu.memory_space<hbm>> -> memref<8192xi32, #tpu.memory_space<hbm>>
    %dma_wait3A_342 = arith.constant 0 : i32
    %dma_wait3A_343 = tpu.memref_slice %arg19[%dma_wait3A_342] : memref<8192xi32, #tpu.memory_space<vmem>> -> memref<8192xi32, #tpu.memory_space<vmem>>
    %dma_wait3A_344 = tpu.memref_slice %arg3[%mul3A_28] : memref<1000000xi32, #tpu.memory_space<hbm>> -> memref<8192xi32, #tpu.memory_space<hbm>>
    tpu.wait_dma2 semaphore(%arg28 : memref<!tpu.dma_semaphore, #tpu.memory_space<semaphore_mem>>) src(%dma_wait3A_344 : memref<8192xi32, #tpu.memory_space<hbm>>) dst(%dma_wait3A_343 : memref<8192xi32, #tpu.memory_space<vmem>>)
    %parallel_loop3A_345 = arith.constant 0 : i32
    %parallel_loop3A_346 = arith.constant 512 : i32
    %parallel_loop3A_347 = arith.constant 1 : i32
    scf.for %parallel_loop3A_429 = %parallel_loop3A_345 to %parallel_loop3A_346 step %parallel_loop3A_347  : i32 {
      %parallel_loop3A_430 = arith.constant 16 : i32
      %parallel_loop3A_431 = arith.muli %parallel_loop3A_429, %parallel_loop3A_430 : i32
      %parallel_loop3A_432 = arith.index_cast %parallel_loop3A_431 : i32 to index
      %parallel_loop3A_433 = tpu.vector_load %arg19[%parallel_loop3A_432] {strides = array<i32>} : memref<8192xi32, #tpu.memory_space<vmem>>, vector<16xi32>,
      %parallel_loop3A_434 = tpu.vector_load_idx %arg17[%parallel_loop3A_433] : memref<64xf32, #tpu.memory_space<vmem>>[vector<16xi32>], vector<16xf32>,
      %parallel_loop3A_435 = arith.index_cast %parallel_loop3A_431 : i32 to index
      %parallel_loop3A_436 = tpu.vector_load %arg23[%parallel_loop3A_435] {strides = array<i32>} : memref<8192xf32, #tpu.memory_space<vmem>>, vector<16xf32>,
      tpu.vector_store %arg23[%parallel_loop3A_435], %parallel_loop3A_434 {strides = array<i32>} : memref<8192xf32, #tpu.memory_space<vmem>>, vector<16xf32>,
    } {sc.loop_unroll_factor = 8 : i64, sc.parallel_access}
    %add3A_348 = arith.constant 512 : i32
    %add3A_349 = arith.addi %add3A_9, %add3A_348 : i32
    %mul3A_350 = arith.constant 16 : i32
    %mul3A_351 = arith.muli %add3A_349, %mul3A_350 : i32
    %dma_start3A_352 = arith.constant 0 : i32
    %dma_start3A_353 = tpu.memref_slice %arg23[%dma_start3A_352] : memref<8192xf32, #tpu.memory_space<vmem>> -> memref<8192xf32, #tpu.memory_space<vmem>>
    %dma_start3A_354 = tpu.memref_slice %arg9[%mul3A_351] : memref<1000000xf32, #tpu.memory_space<hbm>> -> memref<8192xf32, #tpu.memory_space<hbm>>
    %dma_start3A_355 = tpu.memref_slice %arg9[%mul3A_351] : memref<1000000xf32, #tpu.memory_space<hbm>> -> memref<8192xf32, #tpu.memory_space<hbm>>
    %dma_start3A_356 = arith.constant 0 : i32
    %dma_start3A_357 = tpu.memref_slice %arg23[%dma_start3A_356] : memref<8192xf32, #tpu.memory_space<vmem>> -> memref<8192xf32, #tpu.memory_space<vmem>>
    tpu.enqueue_dma source(%dma_start3A_357 : memref<8192xf32, #tpu.memory_space<vmem>>) target(%dma_start3A_355 : memref<8192xf32, #tpu.memory_space<hbm>>) target_semaphore(%arg32 : memref<!tpu.dma_semaphore, #tpu.memory_space<semaphore_mem>>)
    %dma_wait3A_358 = arith.constant 0 : i32
    %dma_wait3A_359 = tpu.memref_slice %arg20[%dma_wait3A_358] : memref<8192xi32, #tpu.memory_space<vmem>> -> memref<8192xi32, #tpu.memory_space<vmem>>
    %dma_wait3A_360 = tpu.memref_slice %arg3[%mul3A_38] : memref<1000000xi32, #tpu.memory_space<hbm>> -> memref<8192xi32, #tpu.memory_space<hbm>>
    %dma_wait3A_361 = arith.constant 0 : i32
    %dma_wait3A_362 = tpu.memref_slice %arg20[%dma_wait3A_361] : memref<8192xi32, #tpu.memory_space<vmem>> -> memref<8192xi32, #tpu.memory_space<vmem>>
    %dma_wait3A_363 = tpu.memref_slice %arg3[%mul3A_38] : memref<1000000xi32, #tpu.memory_space<hbm>> -> memref<8192xi32, #tpu.memory_space<hbm>>
    tpu.wait_dma2 semaphore(%arg29 : memref<!tpu.dma_semaphore, #tpu.memory_space<semaphore_mem>>) src(%dma_wait3A_363 : memref<8192xi32, #tpu.memory_space<hbm>>) dst(%dma_wait3A_362 : memref<8192xi32, #tpu.memory_space<vmem>>)
    %parallel_loop3A_364 = arith.constant 0 : i32
    %parallel_loop3A_365 = arith.constant 512 : i32
    %parallel_loop3A_366 = arith.constant 1 : i32
    scf.for %parallel_loop3A_429 = %parallel_loop3A_364 to %parallel_loop3A_365 step %parallel_loop3A_366  : i32 {
      %parallel_loop3A_430 = arith.constant 16 : i32
      %parallel_loop3A_431 = arith.muli %parallel_loop3A_429, %parallel_loop3A_430 : i32
      %parallel_loop3A_432 = arith.index_cast %parallel_loop3A_431 : i32 to index
      %parallel_loop3A_433 = tpu.vector_load %arg20[%parallel_loop3A_432] {strides = array<i32>} : memref<8192xi32, #tpu.memory_space<vmem>>, vector<16xi32>,
      %parallel_loop3A_434 = tpu.vector_load_idx %arg17[%parallel_loop3A_433] : memref<64xf32, #tpu.memory_space<vmem>>[vector<16xi32>], vector<16xf32>,
      %parallel_loop3A_435 = arith.index_cast %parallel_loop3A_431 : i32 to index
      %parallel_loop3A_436 = tpu.vector_load %arg24[%parallel_loop3A_435] {strides = array<i32>} : memref<8192xf32, #tpu.memory_space<vmem>>, vector<16xf32>,
      tpu.vector_store %arg24[%parallel_loop3A_435], %parallel_loop3A_434 {strides = array<i32>} : memref<8192xf32, #tpu.memory_space<vmem>>, vector<16xf32>,
    } {sc.loop_unroll_factor = 8 : i64, sc.parallel_access}
    %add3A_367 = arith.constant 1024 : i32
    %add3A_368 = arith.addi %add3A_9, %add3A_367 : i32
    %mul3A_369 = arith.constant 16 : i32
    %mul3A_370 = arith.muli %add3A_368, %mul3A_369 : i32
    %dma_start3A_371 = arith.constant 0 : i32
    %dma_start3A_372 = tpu.memref_slice %arg24[%dma_start3A_371] : memref<8192xf32, #tpu.memory_space<vmem>> -> memref<8192xf32, #tpu.memory_space<vmem>>
    %dma_start3A_373 = tpu.memref_slice %arg9[%mul3A_370] : memref<1000000xf32, #tpu.memory_space<hbm>> -> memref<8192xf32, #tpu.memory_space<hbm>>
    %dma_start3A_374 = tpu.memref_slice %arg9[%mul3A_370] : memref<1000000xf32, #tpu.memory_space<hbm>> -> memref<8192xf32, #tpu.memory_space<hbm>>
    %dma_start3A_375 = arith.constant 0 : i32
    %dma_start3A_376 = tpu.memref_slice %arg24[%dma_start3A_375] : memref<8192xf32, #tpu.memory_space<vmem>> -> memref<8192xf32, #tpu.memory_space<vmem>>
    tpu.enqueue_dma source(%dma_start3A_376 : memref<8192xf32, #tpu.memory_space<vmem>>) target(%dma_start3A_374 : memref<8192xf32, #tpu.memory_space<hbm>>) target_semaphore(%arg33 : memref<!tpu.dma_semaphore, #tpu.memory_space<semaphore_mem>>)
    %dma_wait3A_377 = arith.constant 0 : i32
    %dma_wait3A_378 = tpu.memref_slice %arg21[%dma_wait3A_377] : memref<8192xi32, #tpu.memory_space<vmem>> -> memref<6688xi32, #tpu.memory_space<vmem>>
    %dma_wait3A_379 = tpu.memref_slice %arg3[%mul3A_48] : memref<1000000xi32, #tpu.memory_space<hbm>> -> memref<6688xi32, #tpu.memory_space<hbm>>
    %dma_wait3A_380 = arith.constant 0 : i32
    %dma_wait3A_381 = tpu.memref_slice %arg21[%dma_wait3A_380] : memref<8192xi32, #tpu.memory_space<vmem>> -> memref<6688xi32, #tpu.memory_space<vmem>>
    %dma_wait3A_382 = tpu.memref_slice %arg3[%mul3A_48] : memref<1000000xi32, #tpu.memory_space<hbm>> -> memref<6688xi32, #tpu.memory_space<hbm>>
    tpu.wait_dma2 semaphore(%arg30 : memref<!tpu.dma_semaphore, #tpu.memory_space<semaphore_mem>>) src(%dma_wait3A_382 : memref<6688xi32, #tpu.memory_space<hbm>>) dst(%dma_wait3A_381 : memref<6688xi32, #tpu.memory_space<vmem>>)
    %parallel_loop3A_383 = arith.constant 0 : i32
    %parallel_loop3A_384 = arith.constant 418 : i32
    %parallel_loop3A_385 = arith.constant 1 : i32
    scf.for %parallel_loop3A_429 = %parallel_loop3A_383 to %parallel_loop3A_384 step %parallel_loop3A_385  : i32 {
      %parallel_loop3A_430 = arith.constant 16 : i32
      %parallel_loop3A_431 = arith.muli %parallel_loop3A_429, %parallel_loop3A_430 : i32
      %parallel_loop3A_432 = arith.index_cast %parallel_loop3A_431 : i32 to index
      %parallel_loop3A_433 = tpu.vector_load %arg21[%parallel_loop3A_432] {strides = array<i32>} : memref<8192xi32, #tpu.memory_space<vmem>>, vector<16xi32>,
      %parallel_loop3A_434 = tpu.vector_load_idx %arg17[%parallel_loop3A_433] : memref<64xf32, #tpu.memory_space<vmem>>[vector<16xi32>], vector<16xf32>,
      %parallel_loop3A_435 = arith.index_cast %parallel_loop3A_431 : i32 to index
      %parallel_loop3A_436 = tpu.vector_load %arg25[%parallel_loop3A_435] {strides = array<i32>} : memref<8192xf32, #tpu.memory_space<vmem>>, vector<16xf32>,
      tpu.vector_store %arg25[%parallel_loop3A_435], %parallel_loop3A_434 {strides = array<i32>} : memref<8192xf32, #tpu.memory_space<vmem>>, vector<16xf32>,
    } {sc.loop_unroll_factor = 8 : i64, sc.parallel_access}
    %sub3A_386 = arith.constant 418 : i32
    %sub3A_387 = arith.subi %add3A_5, %sub3A_386 : i32
    %add3A_388 = arith.addi %add3A_9, %sub3A_387 : i32
    %mul3A_389 = arith.constant 16 : i32
    %mul3A_390 = arith.muli %add3A_388, %mul3A_389 : i32
    %dma_start3A_391 = arith.constant 0 : i32
    %dma_start3A_392 = tpu.memref_slice %arg25[%dma_start3A_391] : memref<8192xf32, #tpu.memory_space<vmem>> -> memref<6688xf32, #tpu.memory_space<vmem>>
    %dma_start3A_393 = tpu.memref_slice %arg9[%mul3A_390] : memref<1000000xf32, #tpu.memory_space<hbm>> -> memref<6688xf32, #tpu.memory_space<hbm>>
    %dma_start3A_394 = tpu.memref_slice %arg9[%mul3A_390] : memref<1000000xf32, #tpu.memory_space<hbm>> -> memref<6688xf32, #tpu.memory_space<hbm>>
    %dma_start3A_395 = arith.constant 0 : i32
    %dma_start3A_396 = tpu.memref_slice %arg25[%dma_start3A_395] : memref<8192xf32, #tpu.memory_space<vmem>> -> memref<6688xf32, #tpu.memory_space<vmem>>
    tpu.enqueue_dma source(%dma_start3A_396 : memref<6688xf32, #tpu.memory_space<vmem>>) target(%dma_start3A_394 : memref<6688xf32, #tpu.memory_space<hbm>>) target_semaphore(%arg34 : memref<!tpu.dma_semaphore, #tpu.memory_space<semaphore_mem>>)
    %eq3A_397 = arith.constant 0 : i32
    %eq3A_398 = arith.cmpi eq, %arg1, %eq3A_397 : i32
    %eq3A_399 = arith.constant 0 : i32
    %eq3A_400 = arith.cmpi eq, %arg0, %eq3A_399 : i32
    %and3A_401 = arith.andi %eq3A_398, %eq3A_400 : i1
    %convert_element_type3A_402 = arith.extui %and3A_401 : i1 to i32
    %cond3A_403 = arith.constant 0 : i32
    %cond3A_404 = arith.cmpi ne, %convert_element_type3A_402, %cond3A_403 : i32
    scf.if %cond3A_404 {
      "tpu.region"() ({
        %run_scoped3A = tpu.sem_alloc : memref<!tpu.dma_semaphore, #tpu.memory_space<semaphore_mem>>
        %dma_start3A_429 = arith.constant 0 : i32
        %dma_start3A_430 = tpu.memref_slice %arg16[%dma_start3A_429] : memref<144xf32, #tpu.memory_space<vmem>> -> memref<64xf32, #tpu.memory_space<vmem>>
        %dma_start3A_431 = arith.constant 0 : i32
        %dma_start3A_432 = tpu.memref_slice %arg16[%dma_start3A_431] : memref<144xf32, #tpu.memory_space<vmem>> -> memref<64xf32, #tpu.memory_space<vmem>>
        tpu.enqueue_dma source(%dma_start3A_432 : memref<64xf32, #tpu.memory_space<vmem>>) target(%arg6 : memref<64xf32, #tpu.memory_space<hbm>>) target_semaphore(%run_scoped3A : memref<!tpu.dma_semaphore, #tpu.memory_space<semaphore_mem>>)
        %dma_wait3A_433 = arith.constant 0 : i32
        %dma_wait3A_434 = tpu.memref_slice %arg16[%dma_wait3A_433] : memref<144xf32, #tpu.memory_space<vmem>> -> memref<64xf32, #tpu.memory_space<vmem>>
        %dma_wait3A_435 = arith.constant 0 : i32
        %dma_wait3A_436 = tpu.memref_slice %arg16[%dma_wait3A_435] : memref<144xf32, #tpu.memory_space<vmem>> -> memref<64xf32, #tpu.memory_space<vmem>>
        tpu.wait_dma2 semaphore(%run_scoped3A : memref<!tpu.dma_semaphore, #tpu.memory_space<semaphore_mem>>) src(%dma_wait3A_436 : memref<64xf32, #tpu.memory_space<vmem>>) dst(%arg6 : memref<64xf32, #tpu.memory_space<hbm>>)
        tpu.yield
      }) : () -> ()
      "tpu.region"() ({
        %run_scoped3A = tpu.sem_alloc : memref<!tpu.dma_semaphore, #tpu.memory_space<semaphore_mem>>
        %dma_start3A_429 = arith.constant 64 : i32
        %dma_start3A_430 = tpu.memref_slice %arg16[%dma_start3A_429] : memref<144xf32, #tpu.memory_space<vmem>> -> memref<64xf32, #tpu.memory_space<vmem>>
        %dma_start3A_431 = arith.constant 64 : i32
        %dma_start3A_432 = tpu.memref_slice %arg16[%dma_start3A_431] : memref<144xf32, #tpu.memory_space<vmem>> -> memref<64xf32, #tpu.memory_space<vmem>>
        tpu.enqueue_dma source(%dma_start3A_432 : memref<64xf32, #tpu.memory_space<vmem>>) target(%arg7 : memref<64xf32, #tpu.memory_space<hbm>>) target_semaphore(%run_scoped3A : memref<!tpu.dma_semaphore, #tpu.memory_space<semaphore_mem>>)
        %dma_wait3A_433 = arith.constant 64 : i32
        %dma_wait3A_434 = tpu.memref_slice %arg16[%dma_wait3A_433] : memref<144xf32, #tpu.memory_space<vmem>> -> memref<64xf32, #tpu.memory_space<vmem>>
        %dma_wait3A_435 = arith.constant 64 : i32
        %dma_wait3A_436 = tpu.memref_slice %arg16[%dma_wait3A_435] : memref<144xf32, #tpu.memory_space<vmem>> -> memref<64xf32, #tpu.memory_space<vmem>>
        tpu.wait_dma2 semaphore(%run_scoped3A : memref<!tpu.dma_semaphore, #tpu.memory_space<semaphore_mem>>) src(%dma_wait3A_436 : memref<64xf32, #tpu.memory_space<vmem>>) dst(%arg7 : memref<64xf32, #tpu.memory_space<hbm>>)
        tpu.yield
      }) : () -> ()
      "tpu.region"() ({
        %run_scoped3A = tpu.sem_alloc : memref<!tpu.dma_semaphore, #tpu.memory_space<semaphore_mem>>
        %dma_start3A_429 = arith.constant 128 : i32
        %dma_start3A_430 = tpu.memref_slice %arg16[%dma_start3A_429] : memref<144xf32, #tpu.memory_space<vmem>> -> memref<16xf32, #tpu.memory_space<vmem>>
        %dma_start3A_431 = arith.constant 128 : i32
        %dma_start3A_432 = tpu.memref_slice %arg16[%dma_start3A_431] : memref<144xf32, #tpu.memory_space<vmem>> -> memref<16xf32, #tpu.memory_space<vmem>>
        tpu.enqueue_dma source(%dma_start3A_432 : memref<16xf32, #tpu.memory_space<vmem>>) target(%arg8 : memref<16xf32, #tpu.memory_space<hbm>>) target_semaphore(%run_scoped3A : memref<!tpu.dma_semaphore, #tpu.memory_space<semaphore_mem>>)
        %dma_wait3A_433 = arith.constant 128 : i32
        %dma_wait3A_434 = tpu.memref_slice %arg16[%dma_wait3A_433] : memref<144xf32, #tpu.memory_space<vmem>> -> memref<16xf32, #tpu.memory_space<vmem>>
        %dma_wait3A_435 = arith.constant 128 : i32
        %dma_wait3A_436 = tpu.memref_slice %arg16[%dma_wait3A_435] : memref<144xf32, #tpu.memory_space<vmem>> -> memref<16xf32, #tpu.memory_space<vmem>>
        tpu.wait_dma2 semaphore(%run_scoped3A : memref<!tpu.dma_semaphore, #tpu.memory_space<semaphore_mem>>) src(%dma_wait3A_436 : memref<16xf32, #tpu.memory_space<vmem>>) dst(%arg8 : memref<16xf32, #tpu.memory_space<hbm>>)
        tpu.yield
      }) : () -> ()
    } else {
    }
    %dma_wait3A_405 = arith.constant 0 : i32
    %dma_wait3A_406 = tpu.memref_slice %arg22[%dma_wait3A_405] : memref<8192xf32, #tpu.memory_space<vmem>> -> memref<8192xf32, #tpu.memory_space<vmem>>
    %dma_wait3A_407 = tpu.memref_slice %arg9[%mul3A_332] : memref<1000000xf32, #tpu.memory_space<hbm>> -> memref<8192xf32, #tpu.memory_space<hbm>>
    %dma_wait3A_408 = tpu.memref_slice %arg9[%mul3A_332] : memref<1000000xf32, #tpu.memory_space<hbm>> -> memref<8192xf32, #tpu.memory_space<hbm>>
    %dma_wait3A_409 = arith.constant 0 : i32
    %dma_wait3A_410 = tpu.memref_slice %arg22[%dma_wait3A_409] : memref<8192xf32, #tpu.memory_space<vmem>> -> memref<8192xf32, #tpu.memory_space<vmem>>
    tpu.wait_dma2 semaphore(%arg31 : memref<!tpu.dma_semaphore, #tpu.memory_space<semaphore_mem>>) src(%dma_wait3A_410 : memref<8192xf32, #tpu.memory_space<vmem>>) dst(%dma_wait3A_408 : memref<8192xf32, #tpu.memory_space<hbm>>)
    %dma_wait3A_411 = arith.constant 0 : i32
    %dma_wait3A_412 = tpu.memref_slice %arg23[%dma_wait3A_411] : memref<8192xf32, #tpu.memory_space<vmem>> -> memref<8192xf32, #tpu.memory_space<vmem>>
    %dma_wait3A_413 = tpu.memref_slice %arg9[%mul3A_351] : memref<1000000xf32, #tpu.memory_space<hbm>> -> memref<8192xf32, #tpu.memory_space<hbm>>
    %dma_wait3A_414 = tpu.memref_slice %arg9[%mul3A_351] : memref<1000000xf32, #tpu.memory_space<hbm>> -> memref<8192xf32, #tpu.memory_space<hbm>>
    %dma_wait3A_415 = arith.constant 0 : i32
    %dma_wait3A_416 = tpu.memref_slice %arg23[%dma_wait3A_415] : memref<8192xf32, #tpu.memory_space<vmem>> -> memref<8192xf32, #tpu.memory_space<vmem>>
    tpu.wait_dma2 semaphore(%arg32 : memref<!tpu.dma_semaphore, #tpu.memory_space<semaphore_mem>>) src(%dma_wait3A_416 : memref<8192xf32, #tpu.memory_space<vmem>>) dst(%dma_wait3A_414 : memref<8192xf32, #tpu.memory_space<hbm>>)
    %dma_wait3A_417 = arith.constant 0 : i32
    %dma_wait3A_418 = tpu.memref_slice %arg24[%dma_wait3A_417] : memref<8192xf32, #tpu.memory_space<vmem>> -> memref<8192xf32, #tpu.memory_space<vmem>>
    %dma_wait3A_419 = tpu.memref_slice %arg9[%mul3A_370] : memref<1000000xf32, #tpu.memory_space<hbm>> -> memref<8192xf32, #tpu.memory_space<hbm>>
    %dma_wait3A_420 = tpu.memref_slice %arg9[%mul3A_370] : memref<1000000xf32, #tpu.memory_space<hbm>> -> memref<8192xf32, #tpu.memory_space<hbm>>
    %dma_wait3A_421 = arith.constant 0 : i32
    %dma_wait3A_422 = tpu.memref_slice %arg24[%dma_wait3A_421] : memref<8192xf32, #tpu.memory_space<vmem>> -> memref<8192xf32, #tpu.memory_space<vmem>>
    tpu.wait_dma2 semaphore(%arg33 : memref<!tpu.dma_semaphore, #tpu.memory_space<semaphore_mem>>) src(%dma_wait3A_422 : memref<8192xf32, #tpu.memory_space<vmem>>) dst(%dma_wait3A_420 : memref<8192xf32, #tpu.memory_space<hbm>>)
    %dma_wait3A_423 = arith.constant 0 : i32
    %dma_wait3A_424 = tpu.memref_slice %arg25[%dma_wait3A_423] : memref<8192xf32, #tpu.memory_space<vmem>> -> memref<6688xf32, #tpu.memory_space<vmem>>
    %dma_wait3A_425 = tpu.memref_slice %arg9[%mul3A_390] : memref<1000000xf32, #tpu.memory_space<hbm>> -> memref<6688xf32, #tpu.memory_space<hbm>>
    %dma_wait3A_426 = tpu.memref_slice %arg9[%mul3A_390] : memref<1000000xf32, #tpu.memory_space<hbm>> -> memref<6688xf32, #tpu.memory_space<hbm>>
    %dma_wait3A_427 = arith.constant 0 : i32
    %dma_wait3A_428 = tpu.memref_slice %arg25[%dma_wait3A_427] : memref<8192xf32, #tpu.memory_space<vmem>> -> memref<6688xf32, #tpu.memory_space<vmem>>
    tpu.wait_dma2 semaphore(%arg34 : memref<!tpu.dma_semaphore, #tpu.memory_space<semaphore_mem>>) src(%dma_wait3A_428 : memref<6688xf32, #tpu.memory_space<vmem>>) dst(%dma_wait3A_426 : memref<6688xf32, #tpu.memory_space<hbm>>)
    return
  }
}

</mosaic_0001>

<sc_bundles>
// kernel: _run.3.cloned.1.call-start
scs
__scs_entry_jumppad:
0x0: {  	(pc) =	sbr.rel $0x88, $3  }
0x1: {  	(tag) =	ssettag $0x0;
	lr =	simm.s32 $0x1  }
0x2: {  	[smem:$0x3F9D] =	sst lr;
	_ =	strace $0xD0000000  }
0x3: {  	_ = 	snop  }
0x4: {  	_ = 	snop  }
0x5: {  	_ = 	snop  }
0x6: {  	_ = 	snop  }
0x7: {  	_ = 	snop  }
__scs_overlays_trampoline_lowered:
0x8: {  	[smem:$0x3FAC] =	sst s0  }
0x9: {  	[smem:$0x3FAD] =	sst s1  }
0xa: {  	[smem:$0x3FAE] =	sst s2  }
0xb: {  	[smem:$0x3FAF] =	sst s3  }
0xc: {  	[smem:$0x3FB0] =	sst s4  }
0xd: {  	[smem:$0x3FB1] =	sst s5  }
0xe: {  	[smem:$0x3FB2] =	sst s6  }
0xf: {  	[smem:$0x3FB3] =	sst s7  }
0x10: {  	[smem:$0x3FB4] =	sst s8  }
0x11: {  	[smem:$0x3FB5] =	sst s9;
	s0 =	simm.s32 @!p0 $0x0  }
0x12: {  	s1 =	sld [smem:$0x3F9B];
	s0 =	simm.s32 @p0 $0x1  }
0x13: {  	[smem:$0x3FB6] =	sst s0;
	s0 =	simm.s32 @!p1 $0x0  }
0x14: {  	s2 =	sld [smem:$0x3F9A];
	s0 =	simm.s32 @p1 $0x1  }
0x15: {  	[smem:$0x3FB7] =	sst s0;
	s0 =	simm.s32 @!p2 $0x0  }
0x16: {  	s3 =	sld [smem:$0x3FDB];
	s0 =	simm.s32 @p2 $0x1  }
0x17: {  	s4 =	simm.s32 $0x1BF5;
	[smem:$0x3FB9] =	sst s0  }
0x18: {  	s0 =	sld [smem:$0x3F9C];
	_ =	swait.ge [sflag:s4], $0x0  }
0x19: {  	s7 =	sld [smem:$0x3F9D]  }
0x1a: {  	s8 =	sadd.s32 $0xFFFFE003, lr  }
0x1b: {  	s9 =	sadd.s32 $0xFFFFFEF7, lr;
	s5 =	simm.s32 $0xFFFFFFFF;
	p2 =	slt.u32 s8, $0xFFFFF086  }
0x1c: {  	p1 =	slt.u32 s9, $0xF7A;
	s5 =	simm.s32 @!p2 $0x0  }
0x1d: {  	s5 =	simm.s32 @p1 $0x1;
	p0 =	seq.s32 s7, s2  }
0x1e: {  	s7 =	smul.u32 @!p0 $0xF7A, s2;
	p2 =	seq.s32 @!p0 s5, $0x0  }
0x1f: {  	s9 =	smul.u32 $0xF7A, s1;
	s8 =	simm.s32 @!p0 $0x1BF5;
	p2 =	por !p2, p0  }
0x20: {  	[sflag:s8] =	ssyncset.s32 @!p0 $0xFFFFF086;
	s6 =	sadd.s32 @!p0 s3, s7;
	s7 =	simm.s32 @!p0 $0x108  }
0x21: {  	s3 =	sadd.s32 s3, s9;
	s6 =	sadd.s32 @!p0 $0x88, s6;
	s7 =	simm.s32 @p2 $0x1082  }
0x22: {  	[simem:s7], [sflag:s8] =	dma.local @!p0 [hbm:s6], $0xF7A  }
0x23: {  	s9 =	sor.u32 $0xD0000000, s2;
	s6 =	simm.s32 $0x108;
	_ =	swait.ge @!p0 [sflag:s8], $0x0  }
0x24: {  	s3 =	sadd.s32 $0x88, s3;
	s6 =	simm.s32 @!p1 $0x1082;
	[sflag:s4] =	ssyncset.s32 $0xFFFFF086  }
0x25: {  	[simem:s6], [sflag:s4] =	dma.local [hbm:s3], $0xF7A  }
0x26: {  	[smem:$0x3F9D] =	sst s1;
	(tag) =	ssettag s2;
	_ =	strace s9  }
0x27: {  	s1 =	sld [smem:$0x3FAD]  }
0x28: {  	s2 =	sld [smem:$0x3FAE]  }
0x29: {  	s4 =	sld [smem:$0x3FB0]  }
0x2a: {  	p0 =	seq.s32 s5, $0x0;
	s5 =	sld [smem:$0x3FB1]  }
0x2b: {  	s6 =	sld [smem:$0x3FB2]  }
0x2c: {  	s7 =	sld [smem:$0x3FB3]  }
0x2d: {  	s3 =	simm.s32 $0x108;
	s8 =	sld [smem:$0x3FB4]  }
0x2e: {  	s3 =	simm.s32 @!p0 $0x1082;
	s9 =	sld [smem:$0x3FB5]  }
0x2f: {  	lr =	sadd.s32 s0, s3;
	s0 =	sld [smem:$0x3FAC]  }
0x30: {  	s3 =	sld [smem:$0x3FAF]  }
0x31: {  	[smem:$0x3FB8] =	sst s10  }
0x32: {  	s10 =	sld [smem:$0x3FB6];
	_ =	sdelay $0x3  }
0x33: {  	p0 =	seq.s32 s10, $0x1;
	s10 =	sld [smem:$0x3FB8];
	_ =	sdelay $0x3  }
0x34: {  	[smem:$0x3FB8] =	sst s10  }
0x35: {  	s10 =	sld [smem:$0x3FB7];
	_ =	sdelay $0x3  }
0x36: {  	p1 =	seq.s32 s10, $0x1;
	s10 =	sld [smem:$0x3FB8];
	_ =	sdelay $0x3  }
0x37: {  	[smem:$0x3FB8] =	sst s10  }
0x38: {  	s10 =	sld [smem:$0x3FB9]  }
0x39: {  	_ = 	snop;
	(pc) =	sbr.ind lr, $3  }
0x3a: {  	_ = 	snop  }
0x3b: {  	_ = 	snop  }
0x3c: {  	p2 =	seq.s32 s10, $0x1;
	s10 =	sld [smem:$0x3FB8]  }
0x3d: {  	_ =	shalt  }
0x3e: {  	_ =	shalt  }
0x3f: {  	_ =	shalt  }
0x40: {  	_ =	shalt  }
0x41: {  	_ =	shalt  }
0x42: {  	_ =	shalt  }
0x43: {  	_ =	shalt  }
0x44: {  	_ =	shalt  }
0x45: {  	_ =	shalt  }
0x46: {  	_ =	shalt  }
0x47: {  	_ =	shalt  }
0x48: {  	_ =	shalt  }
0x49: {  	_ =	shalt  }
0x4a: {  	_ =	shalt  }
0x4b: {  	_ =	shalt  }
0x4c: {  	_ =	shalt  }
0x4d: {  	_ =	shalt  }
0x4e: {  	_ =	shalt  }
0x4f: {  	_ =	shalt  }
0x50: {  	_ =	shalt  }
0x51: {  	_ =	shalt  }
0x52: {  	_ =	shalt  }
0x53: {  	_ =	shalt  }
0x54: {  	_ =	shalt  }
0x55: {  	_ =	shalt  }
0x56: {  	_ =	shalt  }
0x57: {  	_ =	shalt  }
0x58: {  	_ =	shalt  }
0x59: {  	_ =	shalt  }
0x5a: {  	_ =	shalt  }
0x5b: {  	_ =	shalt  }
0x5c: {  	_ =	shalt  }
0x5d: {  	_ =	shalt  }
0x5e: {  	_ =	shalt  }
0x5f: {  	_ =	shalt  }
0x60: {  	_ =	shalt  }
0x61: {  	_ =	shalt  }
0x62: {  	_ =	shalt  }
0x63: {  	_ =	shalt  }
0x64: {  	_ =	shalt  }
0x65: {  	_ =	shalt  }
0x66: {  	_ =	shalt  }
0x67: {  	_ =	shalt  }
0x68: {  	_ =	shalt  }
0x69: {  	_ =	shalt  }
0x6a: {  	_ =	shalt  }
0x6b: {  	_ =	shalt  }
0x6c: {  	_ =	shalt  }
0x6d: {  	_ =	shalt  }
0x6e: {  	_ =	shalt  }
0x6f: {  	_ =	shalt  }
0x70: {  	_ =	shalt  }
0x71: {  	_ =	shalt  }
0x72: {  	_ =	shalt  }
0x73: {  	_ =	shalt  }
0x74: {  	_ =	shalt  }
0x75: {  	_ =	shalt  }
0x76: {  	_ =	shalt  }
0x77: {  	_ =	shalt  }
0x78: {  	_ =	shalt  }
0x79: {  	_ =	shalt  }
0x7a: {  	_ =	shalt  }
0x7b: {  	_ =	shalt  }
0x7c: {  	_ =	shalt  }
0x7d: {  	_ =	shalt  }
0x7e: {  	_ =	shalt  }
0x7f: {  	_ =	shalt  }
0x80: {  	_ =	shalt  }
0x81: {  	_ =	shalt  }
0x82: {  	_ =	shalt  }
0x83: {  	_ =	shalt  }
0x84: {  	_ =	shalt  }
0x85: {  	_ =	shalt  }
0x86: {  	_ =	shalt  }
0x87: {  	_ =	shalt  }
.Lfunc_end0:
.L_simem_size_0:
called_computation_lowered:
.L_overlay_start_0:
0x88: {  	s2 =	sld [smem:$0x3FD9]  }
0x89: {  	s3 =	sld [smem:$0x3FFE];
	_ =	sdelay $0x1  }
0x8a: {  	s1 =	srdreg.scid  }
0x8b: {  	s0 =	sand.u32 $0x1, s1  }
0x8c: {  	s15 =	sshll.u32 s0, $0xA;
	s2 =	sadd.s32 s3, s2  }
0x8d: {  	s2 =	sadd.s32 s2, s15  }
0x8e: {  	[smem:$0x3FC4] =	sst s2  }
0x8f: {  	_ = 	snop  }
0x90: {  	s2 =	sld [smem:$0x3FC9]  }
0x91: {  	s16 =	sld [smem:$0x3FD0]  }
0x92: {  	s4 =	sld [smem:$0x3FC8]  }
0x93: {  	s5 =	sld [smem:$0x3FC7]  }
0x94: {  	s7 =	simm.s32 $0xA;
	s8 =	simm.s32 $0x10;
	s6 =	sld [smem:$0x3FC6]  }
0x95: {  	[smem:s8], [sflag:s7] =	dma.local [hbm:s16], $0x1  }
0x96: {  	_ =	swait.eq [sflag:s7], $0x1  }
0x97: {  	s17 =	sld [smem:$0x10]  }
0x98: {  	s18 =	sld [smem:$0x11];
	[sflag:s7] =	ssyncset.done $0x0  }
0x99: {  	s9 =	sld [smem:$0x12];
	[sflag:s7] =	ssyncadd.s32 $0xFFFFFFFF  }
0x9a: {  	s19 =	sld [smem:$0x13];
	(tm) =	ssettm $0x1  }
0x9b: {  	s10 =	sld [smem:$0x3FFB];
	_ =	sdelay $0x3  }
0x9c: {  	_ =	strace s10  }
0x9d: {  	s10 =	sld [smem:$0x3FFC];
	_ =	sdelay $0x3  }
0x9e: {  	_ =	strace s10  }
0x9f: {  	s10 =	sld [smem:$0x3FFD];
	_ =	sdelay $0x3  }
0xa0: {  	_ =	strace s10  }
0xa1: {  	_ =	strace $0x8FFFFFFF  }
0xa2: {  	s20 =	sld [smem:$0x3FDB];
	_ =	sdelay $0x1  }
0xa3: {  	s11 =	simm.s32 $_scs_section_size  }
0xa4: {  	s12 =	simm.s32 $_size__tile_overlayer_lowered;
	s13 =	simm.s32 $_tile_overlayer_lowered  }
0xa5: {  	s23 =	simm.s32 $0x1BFF;
	s22 =	sshll.u32 s13, $0x1;
	s10 =	sadd.s32 s11, s20  }
0xa6: {  	s14 =	simm.s32 $0x0;
	s21 =	sshll.u32 s12, $0x1;
	s12 =	sadd.s32 s22, s10  }
0xa7: {  	[timem:s14], [sflag:s23] =	dma.local [hbm:s12], s21  }
0xa8: {  	_ =	swait.ge [sflag:s23], s21  }
0xa9: {  	s11 =	ssub.s32 $0x0, s21;
	[sflag:s23] =	ssyncset.done $0x0  }
0xaa: {  	[sflag:s23] =	ssyncadd.s32 s11;
	_ =	sdelay $0x1  }
0xab: {  	s24 =	simm.s32 $0x1B8B  }
0xac: {  	_ =	swait.ge [sflag:s24], $0x1  }
0xad: {  	[sflag:s24] =	ssyncset.done $0x0  }
0xae: {  	s25 =	simm.s32 $0x1B8E;
	[sflag:s24] =	ssyncadd.s32 $0xFFFFFFFF  }
0xaf: {  	s26 =	simm.s32 $execute0_lowered;
	[smem:$0x3FD2] =	sst s25  }
0xb0: {  	s11 =	sshll.u32 s26, $0x1;
	_ =	strace $0x80000046;
	[dreg:$0x1] =	wrdreg $0xFFFFFFFF  }
0xb1: {  	s28 =	simm.s32 $_size_execute0_lowered;
	s10 =	sadd.s32 s10, s11;
	[dreg:$0x0] =	wrdreg $0x0  }
0xb2: {  	s11 =	sshll.u32 s28, $0x1;
	[dreg:$0x2] =	wrdreg s10  }
0xb3: {  	[dreg:$0x3] =	wrdreg s11  }
0xb4: {  	[dreg:$0x4] =	wrdreg $0xC0  }
0xb5: {  	_ =	task [dreg:s14], $0x5FFFF  }
0xb6: {  	[dreg:$0x1] =	wrdreg $0xFFFFFFFF  }
0xb7: {  	[dreg:$0x0] =	wrdreg $0x60  }
0xb8: {  	[dreg:$0x2] =	wrdreg s2  }
0xb9: {  	[dreg:$0x3] =	wrdreg s4  }
0xba: {  	[dreg:$0x4] =	wrdreg s5  }
0xbb: {  	[dreg:$0x5] =	wrdreg s6  }
0xbc: {  	[dreg:$0x6] =	wrdreg s17  }
0xbd: {  	[dreg:$0x7] =	wrdreg s18  }
0xbe: {  	[dreg:$0x8] =	wrdreg s9  }
0xbf: {  	[dreg:$0x9] =	wrdreg s19  }
0xc0: {  	[dreg:$0xa] =	wrdreg $0x10B800  }
0xc1: {  	[dreg:$0xb] =	wrdreg $0x9  }
0xc2: {  	_ =	task.clear_ibuf [dreg:s14], $0xCFFFF;
	_ =	strace $0x90000046  }
0xc3: {  	s29 =	simm.s32 $0x9;
	_ =	strace $0x80000048  }
0xc4: {  	_ =	swait.ge [sflag:s29], $0x1  }
0xc5: {  	[sflag:s29] =	ssyncadd.s32 $0xFFFFFFFF  }
0xc6: {  	_ =	strace $0x90000048  }
0xc7: {  	_ =	sfence  }
0xc8: {  	s30 =	sld [smem:$0x0];
	_ =	sdelay $0x2  }
0xc9: {  	s31 =	sshll.u32 s1, $0xD;
	s1 =	sshrl.u32 s1, $0x2  }
0xca: {  	s3 =	sand.u32 $0x4000, s31;
	s1 =	sadd.s32 s1, s30  }
0xcb: {  	s0 =	sor.u32 s3, s0;
	s1 =	sshll.u32 s1, $0x11  }
0xcc: {  	s0 =	sor.u32 s1, s0  }
0xcd: {  	s0 =	sadd.s32 $0x8F2B, s0  }
0xce: {  	[sflag:s0] =	ssyncadd.remote.s32 $0x1  }
0xcf: {  	_ =	sfence.sel $0xFFFF  }
0xd0: {  	[dreg:$0x0] =	wrdreg $0xFFFFFFFF;
	(pc) =	sbr.abs _section_cstart, $3  }
0xd1: {  	[dreg:$0x1] =	wrdreg $0xFFFFFFFF  }
0xd2: {  	_ =	task.clear_ibuf [dreg:s14], $0x2FFFF;
	_ =	strace $0x9FFFFFFF  }
0xd3: {  	(tm) =	ssettm $0x7FFFFFFF  }
tec
execute0_lowered:
.L_overlay_start_1:
0x0: {  	(tag) =	ssettag $0x1  }
0x1: {  	v0 =	vimm.f32 $1.000000000e+00;
	vm0 =	vcmask $0x320;
	vm3 =	vcmask $0x1310  }
0x2: {  	vm1 =	vmmov $0x1;
	vm4 =	vcmask $0x720;
	vm5 =	vcmask $0x1710  }
0x3: {  	v1 =	vimm.s32 $0x27262524;
	v2 =	vimm.s32 $0x37363534;
	v3 =	vimm.s32 $0x7060504  }
0x4: {  	vm8 =	vcmask $0x1F10;
	v4 =	vimm.s32 $0x17161514;
	v5 =	vimm.s32 $0x67666564  }
0x5: {  	v6 =	vimm.s32 $0x77767574;
	vm6 =	vcmask $0xB20;
	v7 =	vimm.s32 $0xB7B6B5B4  }
0x6: {  	v8 =	vimm.s32 $0x87868584;
	v9 =	vimm.s32 $0x97969594;
	v10 =	vimm.s32 $0x3020100  }
0x7: {  	v11 =	vimm.s32 $0x13121110;
	vm7 =	vcmask $0x1B10;
	v1 =	vunpack.c.0.s8.s32 v1  }
0x8: {  	v2 =	vunpack.c.0.s8.s32 v2;
	v3 =	vunpack.c.0.s8.s32 v3;
	v4 =	vunpack.c.0.s8.s32 v4  }
0x9: {  	vm2 =	vmor vm0, vm3;
	v5 =	vunpack.c.0.s8.s32 v5;
	v6 =	vunpack.c.0.s8.s32 v6  }
0xa: {  	vm3 =	vmor vm4, vm3;
	v1 =	vsel vm8, v2, v1;
	v2 =	vsel vm8, v4, v3  }
0xb: {  	s2 =	rddreg [dreg:$0x0];
	v3 =	vsel vm8, v6, v5;
	v4 =	vimm.s32 $0x47464544;
	v5 =	vimm.s32 $0x57565554  }
0xc: {  	s0 =	rddreg [dreg:$0x1];
	v6 =	vimm.s32 $0xA7A6A5A4;
	v4 =	vunpack.c.0.s8.s32 v4;
	v5 =	vunpack.c.0.s8.s32 v5  }
0xd: {  	s1 =	rddreg [dreg:$0x7];
	v7 =	vunpack.c.0.s8.s32 v7;
	v10 =	vunpack.c.0.s8.s32 v10;
	v6 =	vunpack.c.0.s8.s32 v6  }
0xe: {  	s12 =	rddreg [dreg:$0x8];
	s3 =	srdreg.scid;
	v4 =	vsel vm8, v5, v4;
	v5 =	vunpack.c.0.s8.s32 v8;
	v8 =	vunpack.c.0.s8.s32 v9  }
0xf: {  	s13 =	stileid.u32;
	s8 =	simm.s32 $0x0;
	s28 =	simm.s32 $0x9;
	v1 =	vcombine.low v2, v1;
	v9 =	vimm.s32 $0x33323130;
	v2 =	vcombine.low v4, v3  }
0x10: {  	s29 =	simm.s32 $0x700;
	s31 =	simm.s32 $0xA;
	s3 =	sand.u32 $0x1, s3;
	v3 =	vsel vm8, v7, v6;
	v6 =	vimm.s32 $0xF7F6F5F4;
	v4 =	vsel vm8, v8, v5  }
0x11: {  	s4 =	sshll.u32 s13, $0x1;
	[smem:$0x7FF] =	sst s8;
	s6 =	sshll.u32 s13, $0x9;
	v7 =	vimm.s32 $0xD7D6D5D4;
	v5 =	vimm.s32 $0xE7E6E5E4;
	v4 =	vcombine.low v4, v3  }
0x12: {  	s9 =	sshrl.u32 s13, $0x1;
	p0 =	slt.u32 s13, $0x2;
	s23 =	sshll.u32 s13, $0x4;
	v3 =	vunpack.c.0.s8.s32 v5;
	v5 =	vunpack.c.0.s8.s32 v6;
	v6 =	vimm.s32 $0xC7C6C5C4  }
0x13: {  	s4 =	sor.u32 s3, s4;
	_ =	strace $0x80000047;
	s7 =	ssub.s32 $0x2, s3;
	v8 =	vimm.s32 $0x23222120;
	v7 =	vunpack.c.0.s8.s32 v7;
	v6 =	vunpack.c.0.s8.s32 v6  }
0x14: {  	v11 =	vunpack.c.0.s8.s32 v11;
	s9 =	smul.u32 $0xC00, s9;
	s6 =	sand.u32 $0x200, s6;
	s3 =	sor.u32 s3, s13;
	v9 =	vunpack.c.0.s8.s32 v9;
	v8 =	vunpack.c.0.s8.s32 v8  }
0x15: {  	s13 =	simm.s32 $0x4;
	s5 =	smul.u32 $0x7A1, s4;
	s10 =	sshrl.u32 s7, $0x1;
	v3 =	vsel vm8, v5, v3;
	v5 =	vsel vm8, v7, v6;
	v6 =	vimm.s32 $0xA3A2A1A0  }
0x16: {  	s4 =	smin.u32 s4, $0x4;
	s7 =	ssub.s32 s7, s10;
	s16 =	sor.u32 s6, s9;
	v7 =	vsel vm8, v9, v8;
	v8 =	vsel vm8, v11, v10;
	v9 =	vimm.s32 $0xB3B2B1B0  }
0x17: {  	s6 =	simm.s32 $0x600;
	s4 =	sadd.s32 s4, s5;
	s5 =	sshrl.u32 s16, $0x3;
	v10 =	vimm.s32 $0x83828180;
	v11 =	vimm.s32 $0x93929190;
	v6 =	vunpack.c.0.s8.s32 v6  }
0x18: {  	s6 =	simm.s32 @!p0 $0x5FF;
	p0 =	sne.s32 s3, $0x0;
	s17 =	sshll.u32 s4, $0x1;
	v9 =	vunpack.c.0.s8.s32 v9;
	v10 =	vunpack.c.0.s8.s32 v10;
	v11 =	vunpack.c.0.s8.s32 v11  }
0x19: {  	vm4 =	vmor vm4, vm5;
	s4 =	sadd.s32 s6, s4;
	s2 =	sadd.s32 s2, s5;
	s5 =	simm.s32 $0x900;
	v5 =	vcombine.low v5, v3;
	v3 =	vcombine.low v8, v7  }
0x1a: {  	s18 =	sadd.s32 $0x400, s17;
	[dreg:$0xa] =	wrdreg s2;
	s19 =	sadd.s32 s0, s17;
	v8 =	vimm.s32 $0xE3E2E1E0;
	v6 =	vsel vm8, v9, v6;
	v7 =	vsel vm8, v11, v10  }
0x1b: {  	s11 =	sadd.s32 $0x800, s17;
	s24 =	sadd.s32 s1, s17;
	[dreg:$0xb] =	wrdreg s19;
	v9 =	vimm.s32 $0x63626160;
	v11 =	vimm.s32 $0xD3D2D1D0;
	v10 =	vcombine.low v7, v6  }
0x1c: {  	s20 =	sshll.u32 s4, $0x1;
	s21 =	sadd.s32 s0, s18;
	[dreg:$0x10] =	wrdreg s24;
	v6 =	vunpack.c.0.s8.s32 v8;
	v7 =	vimm.s32 $0xF3F2F1F0;
	v8 =	vimm.s32 $0xC3C2C1C0  }
0x1d: {  	s4 =	simm.s32 $0x3;
	s22 =	sadd.s32 s0, s11;
	[dreg:$0xc] =	wrdreg s21;
	v11 =	vunpack.c.0.s8.s32 v11;
	v7 =	vunpack.c.0.s8.s32 v7;
	v8 =	vunpack.c.0.s8.s32 v8  }
0x1e: {  	vm5 =	vmor vm6, vm5;
	vm6 =	vmor vm6, vm7;
	s2 =	sand.u32 $0x1FFFFFFE, s20;
	s25 =	sadd.s32 s1, s18;
	[dreg:$0xd] =	wrdreg s22;
	v9 =	vunpack.c.0.s8.s32 v9  }
0x1f: {  	s26 =	sadd.s32 s1, s11;
	s24 =	simm.s32 $0x7;
	[dreg:$0x11] =	wrdreg s25;
	v6 =	vsel vm8, v7, v6;
	v7 =	vimm.s32 $0x73727170;
	v8 =	vsel vm8, v11, v8  }
0x20: {  	s0 =	sadd.s32 s0, s2;
	[dreg:$0x12] =	wrdreg s26;
	s30 =	sadd.s32 s1, s2;
	v11 =	vimm.s32 $0x43424140;
	v12 =	vcombine.low v8, v6;
	v6 =	vimm.s32 $0x53525150  }
0x21: {  	s21 =	smax.u32 s7, $0x1;
	s7 =	simm.s32 $0x1;
	s2 =	simm.s32 $0x2;
	v7 =	vunpack.c.0.s8.s32 v7;
	v8 =	vunpack.c.0.s8.s32 v11;
	v11 =	vunpack.c.0.s8.s32 v6  }
0x22: {  	vm7 =	vcmask $0x1B20;
	s22 =	simm.s32 $0x5;
	s25 =	simm.s32 $0x8;
	[dreg:$0xe] =	wrdreg s0;
	v4 =	vand.u32 $0xFF, v4;
	v5 =	vand.u32 $0xFF, v5  }
0x23: {  	s26 =	simm.s32 $0x0;
	s0 =	sadd.s32 s23, s12;
	[dreg:$0x13] =	wrdreg s30;
	v6 =	vimm.f32 $0.0e+00;
	v7 =	vsel vm8, v7, v9;
	v8 =	vsel vm8, v11, v8  }
0x24: {  	s23 =	simm.s32 $0x6;
	[dreg:$0xf] =	wrdreg s0;
	s0 =	simm.s32 $0xB00;
	v9 =	vand.u32 $0xFF, v12;
	v7 =	vcombine.low v8, v7;
	v8 =	vand.u32 $0xFF, v10  }
.LBB2_1:
0x25: {  	s1 =	rddreg [dreg:$0xa];
	s3 =	simm.s32 $0x200;
	s6 =	simm.s32 $0x400  }
0x26: {  	[tilespmem:s8], [sflag:$0x9] =	stream.strided.gather [hbm4b:s1+s3], $0x600, s6, s3, $0x38;
	[tilespmem:$0x10B90] =	vst v63  }
0x27: {  	s19 =	rddreg [dreg:$0x2];
	s20 =	simm.s32 $0x600  }
0x28: {  	[tilespmem:s20], [sflag:$0x9] =	stream.linear.gather [hbm4b:s19+s8], $0x80, $0x38;
	[tilespmem:$0x10B90] =	vst v63  }
0x29: {  	s3 =	rddreg [dreg:$0xb];
	s6 =	simm.s32 $0xB80  }
0x2a: {  	[tilespmem:s6], [sflag:$0x1] =	stream.linear.gather [hbm4b:s3+s8], $0x2000, $0x38;
	[tilespmem:$0x10B90] =	vst v63  }
0x2b: {  	s9 =	rddreg [dreg:$0xc];
	s10 =	simm.s32 $0x2B80  }
0x2c: {  	[tilespmem:s10], [sflag:$0x2] =	stream.linear.gather [hbm4b:s9+s8], $0x2000, $0x38;
	[tilespmem:$0x10B90] =	vst v63  }
0x2d: {  	s11 =	rddreg [dreg:$0xd];
	s12 =	simm.s32 $0x4B80  }
0x2e: {  	[tilespmem:s12], [sflag:$0x3] =	stream.linear.gather [hbm4b:s11+s8], $0x2000, $0x38;
	[tilespmem:$0x10B90] =	vst v63  }
0x2f: {  	s14 =	rddreg [dreg:$0xe];
	s15 =	simm.s32 $0x6B80  }
0x30: {  	[tilespmem:s15], [sflag:$0x4] =	stream.linear.gather [hbm4b:s14+s8], $0x1A20, $0x38;
	[tilespmem:$0x10B90] =	vst v63  }
0x31: {  	s1 =	simm.s32 @!p0 $0x0;
	s3 =	simm.s32 @!p0 $0x680;
	s6 =	rddreg [dreg:$0x3]  }
0x32: {  	[tilespmem:s3], [sflag:$0xA] =	stream.linear.gather @!p0 [hbm4b:s6+s1], $0x80, $0x38;
	[tilespmem:$0x10B90] =	vst v63  }
0x33: {  	s1 =	simm.s32 @!p0 $0xA  }
0x34: {  	_ =	swait.ge @!p0 [sflag:s1], $0x80  }
0x35: {  	[sflag:s1] =	ssyncset.done @!p0 $0x0  }
0x36: {  	[sflag:s1] =	ssyncadd.s32 @!p0 $0xFFFFFF80  }
0x37: {  	[tilespmem:$0x700] =	vst v6  }
0x38: {  	[tilespmem:$0x710] =	vst v6  }
0x39: {  	[tilespmem:$0x720] =	vst v6  }
0x3a: {  	[tilespmem:$0x730] =	vst v6  }
0x3b: {  	[tilespmem:$0x740] =	vst v6  }
0x3c: {  	[tilespmem:$0x750] =	vst v6  }
0x3d: {  	[tilespmem:$0x760] =	vst v6  }
0x3e: {  	[tilespmem:$0x770] =	vst v6  }
0x3f: {  	[tilespmem:$0x780] =	vst v6  }
0x40: {  	[tilespmem:$0x790] =	vst v6  }
0x41: {  	[tilespmem:$0x7A0] =	vst v6  }
0x42: {  	[tilespmem:$0x7B0] =	vst v6  }
0x43: {  	[tilespmem:$0x7C0] =	vst v6  }
0x44: {  	[tilespmem:$0x7D0] =	vst v6  }
0x45: {  	[tilespmem:$0x7E0] =	vst v6  }
0x46: {  	[tilespmem:$0x7F0] =	vst v6  }
0x47: {  	[tilespmem:$0x800] =	vst v6  }
0x48: {  	[tilespmem:$0x810] =	vst v6  }
0x49: {  	[tilespmem:$0x820] =	vst v6  }
0x4a: {  	[tilespmem:$0x830] =	vst v6  }
0x4b: {  	[tilespmem:$0x840] =	vst v6  }
0x4c: {  	[tilespmem:$0x850] =	vst v6  }
0x4d: {  	[tilespmem:$0x860] =	vst v6  }
0x4e: {  	[tilespmem:$0x870] =	vst v6  }
0x4f: {  	_ =	swait.ge [sflag:s28], $0x600  }
0x50: {  	[sflag:s28] =	ssyncset.done $0x0  }
0x51: {  	[sflag:s28] =	ssyncadd.s32 $0xFFFFFA00  }
0x52: {  	_ =	swait.ge [sflag:s28], $0x80  }
0x53: {  	[sflag:s28] =	ssyncset.done $0x0  }
0x54: {  	[sflag:s28] =	ssyncadd.s32 $0xFFFFFF80  }
0x55: {  	v10 =	vld [tilespmem:$0x600];
	_ =	sdelay $0x7  }
0x56: {  	[tilespmem:v10+s29+$0x0] =	vst.idx.add.f32.msk $0xffff, v0  }
0x57: {  	v10 =	vld [tilespmem:$0x610];
	_ =	sdelay $0x7  }
0x58: {  	[tilespmem:v10+s29+$0x0] =	vst.idx.add.f32.msk $0xffff, v0  }
0x59: {  	v10 =	vld [tilespmem:$0x620];
	_ =	sdelay $0x7  }
0x5a: {  	[tilespmem:v10+s29+$0x0] =	vst.idx.add.f32.msk $0xffff, v0  }
0x5b: {  	v10 =	vld [tilespmem:$0x630];
	_ =	sdelay $0x7  }
0x5c: {  	[tilespmem:v10+s29+$0x0] =	vst.idx.add.f32.msk $0xffff, v0  }
0x5d: {  	v10 =	vld [tilespmem:$0x640];
	_ =	sdelay $0x7  }
0x5e: {  	[tilespmem:v10+s29+$0x0] =	vst.idx.add.f32.msk $0xffff, v0  }
0x5f: {  	v10 =	vld [tilespmem:$0x650];
	_ =	sdelay $0x6  }
0x60: {  	s16 =	simm.s32 $0x0  }
0x61: {  	s17 =	sand.u32 $0x60, s8;
	s30 =	simm.s32 $0x730;
	s1 =	sand.u32 $0x600, s16;
	[tilespmem:v10+s29+$0x0] =	vst.idx.add.f32.msk $0xffff, v0  }
0x62: {  	s18 =	sor.u32 $0x10, s17;
	s19 =	simm.s32 $0x200;
	s3 =	sor.u32 s17, s1;
	v10 =	vld [tilespmem:s30+$0xFFFFFFD0]  }
0x63: {  	s20 =	simm.s32 $0x20;
	s9 =	sand.u32 $0x180, s8;
	s1 =	sor.u32 s18, s1;
	v12 =	vld [tilespmem:s3+$0x0]  }
0x64: {  	s10 =	sand.u32 $0x3800, s19;
	s19 =	simm.s32 $0x500;
	s6 =	sor.u32 s18, s9;
	v13 =	vld [tilespmem:s1+$0x0]  }
0x65: {  	s11 =	sand.u32 $0x60, s20;
	s12 =	simm.s32 $0x300;
	v15 =	vld [tilespmem:s6+$0x700];
	s1 =	sshrl.u32 s10, $0x2  }
0x66: {  	s14 =	simm.s32 $0x30;
	s9 =	sand.u32 $0x3800, s12;
	v17 =	vld [tilespmem:s30+$0xFFFFFFF0];
	s1 =	sor.u32 s11, s1  }
0x67: {  	s15 =	sand.u32 $0x70, s14;
	s16 =	sshrl.u32 s9, $0x2;
	s17 =	simm.s32 $0x400;
	v11 =	vld [tilespmem:s1+$0x0]  }
0x68: {  	s18 =	simm.s32 $0x40;
	s3 =	sor.u32 s15, s16;
	v14 =	vld [tilespmem:s30+$0x0];
	s1 =	sand.u32 $0x3800, s17;
	v16 =	vmul.f32 v10, v12  }
0x69: {  	s9 =	sand.u32 $0x3800, s19;
	s6 =	sand.u32 $0x60, s18;
	s1 =	sshrl.u32 s1, $0x2;
	v10 =	vld [tilespmem:s3+$0x0]  }
0x6a: {  	s20 =	simm.s32 $0x50;
	s9 =	sshrl.u32 s9, $0x2;
	s6 =	sor.u32 s6, s1;
	v18 =	vadd.f32 v12, v6;
	v19 =	vmul.f32 v15, v13;
	v15 =	vld [tilespmem:s30+$0x10];
	v16 =	vadd.f32 v16, v6  }
0x6b: {  	s1 =	simm.s32 $0x0;
	s3 =	sand.u32 $0x70, s20;
	v12 =	vld [tilespmem:s6+$0x0];
	s6 =	simm.s32 $0x60  }
0x6c: {  	s10 =	sor.u32 s3, s9;
	s3 =	simm.s32 $0x600;
	s9 =	simm.s32 $0x730;
	v18 =	vadd.f32 v13, v18;
	v17 =	vmul.f32 v17, v11;
	v13 =	vld [tilespmem:s30+$0x20];
	v16 =	vadd.f32 v19, v16  }
.LBB2_2:
0x6d: {  	s11 =	sshrl.u32 s3, $0x2;
	s1 =	sadd.s32 $0x6, s1;
	v19 =	vld [tilespmem:s10+$0x0];
	s9 =	sadd.s32 $0x60, s9  }
0x6e: {  	s10 =	sand.u32 $0x60, s6;
	s11 =	sand.u32 $0x600, s11;
	p1 =	slt.u32 s1, $0x12;
	v11 =	vadd.f32 v11, v18;
	v16 =	vadd.f32 v17, v16;
	v14 =	vmul.f32 v14, v10  }
0x6f: {  	s12 =	sor.u32 s10, s11;
	v17 =	vld [tilespmem:s9+$0xFFFFFFD0];
	s10 =	sor.u32 $0x10, s10  }
0x70: {  	s14 =	sadd.s32 $0x200, s3;
	v18 =	vld [tilespmem:s12+$0x0];
	s11 =	sor.u32 s10, s11;
	s12 =	sand.u32 $0x180, s6;
	v10 =	vadd.f32 v10, v11;
	v11 =	vadd.f32 v14, v16;
	v14 =	vmul.f32 v15, v12  }
0x71: {  	v16 =	vld [tilespmem:s11+$0x0];
	s10 =	sor.u32 s10, s12;
	s11 =	sadd.s32 $0x20, s6;
	s12 =	sand.u32 $0x3800, s14  }
0x72: {  	v15 =	vld [tilespmem:s10+$0x700];
	s10 =	sand.u32 $0x60, s11;
	s11 =	sshrl.u32 s12, $0x2;
	s12 =	sadd.s32 $0x300, s3;
	v10 =	vadd.f32 v12, v10;
	v12 =	vadd.f32 v14, v11;
	v13 =	vmul.f32 v13, v19  }
0x73: {  	s10 =	sor.u32 s10, s11;
	v20 =	vld [tilespmem:s9+$0xFFFFFFF0];
	s11 =	sadd.s32 $0x30, s6;
	s12 =	sand.u32 $0x3800, s12  }
0x74: {  	v11 =	vld [tilespmem:s10+$0x0];
	s10 =	sand.u32 $0x70, s11;
	s11 =	sshrl.u32 s12, $0x2  }
0x75: {  	s12 =	sadd.s32 $0x400, s3;
	v19 =	vadd.f32 v19, v10;
	v12 =	vadd.f32 v13, v12;
	s10 =	sor.u32 s10, s11  }
.Ltmp0:
0x76: {  	v13 =	vmul.f32 v17, v18;
	v14 =	vld [tilespmem:s9+$0x0];
	s11 =	sadd.s32 $0x40, s6;
	s12 =	sand.u32 $0x3800, s12;
	(pc) =	sbr.rel @p1 .LBB2_2-.Ltmp0, $4  }
0x77: {  	v10 =	vld [tilespmem:s10+$0x0];
	s10 =	sand.u32 $0x60, s11;
	s11 =	sshrl.u32 s12, $0x2;
	s12 =	sadd.s32 $0x500, s3  }
0x78: {  	v17 =	vadd.f32 v18, v19;
	v13 =	vadd.f32 v13, v12;
	v19 =	vmul.f32 v15, v16;
	s10 =	sor.u32 s10, s11;
	v15 =	vld [tilespmem:s9+$0x10];
	s11 =	sadd.s32 $0x50, s6;
	s12 =	sand.u32 $0x3800, s12  }
0x79: {  	v12 =	vld [tilespmem:s10+$0x0];
	s10 =	sand.u32 $0x70, s11;
	s11 =	sshrl.u32 s12, $0x2  }
0x7a: {  	s3 =	sadd.s32 $0x600, s3;
	s6 =	sadd.s32 $0x60, s6;
	v18 =	vadd.f32 v16, v17;
	v16 =	vadd.f32 v19, v13;
	v17 =	vmul.f32 v20, v11;
	s10 =	sor.u32 s10, s11;
	v13 =	vld [tilespmem:s9+$0x20]  }
0x7b: {  	s1 =	simm.s32 $0x0;
	s3 =	simm.s32 $0x0  }
0x7c: {  	v19 =	vld [tilespmem:s10+$0x0];
	s6 =	sand.u32 $0x60, s1;
	s9 =	sand.u32 $0x600, s3  }
0x7d: {  	v20 =	vld [tilespmem:s30+$0xFFFFFFD0];
	s3 =	sor.u32 s6, s9;
	s20 =	sor.u32 $0x10, s6  }
0x7e: {  	s11 =	simm.s32 $0x200;
	s1 =	sand.u32 $0x180, s1;
	v21 =	vld [tilespmem:s3+$0x80];
	s6 =	sor.u32 s20, s9  }
0x7f: {  	s12 =	simm.s32 $0x20;
	s19 =	sor.u32 s20, s1;
	s9 =	sand.u32 $0x3800, s11;
	v22 =	vld [tilespmem:s6+$0x80]  }
0x80: {  	s14 =	simm.s32 $0x300;
	v11 =	vadd.f32 v11, v18;
	v16 =	vadd.f32 v17, v16;
	v17 =	vmul.f32 v14, v10;
	s1 =	sand.u32 $0x60, s12;
	v18 =	vld [tilespmem:s19+$0x700];
	s9 =	sshrl.u32 s9, $0x2  }
0x81: {  	v23 =	vld [tilespmem:s30+$0xFFFFFFF0];
	s15 =	simm.s32 $0x30;
	s10 =	sand.u32 $0x3800, s14;
	s9 =	sor.u32 s1, s9  }
0x82: {  	s10 =	sshrl.u32 s10, $0x2;
	v10 =	vadd.f32 v10, v11;
	s12 =	simm.s32 $0x400;
	v11 =	vadd.f32 v17, v16;
	v17 =	vmul.f32 v15, v12;
	s1 =	sand.u32 $0x70, s15;
	v14 =	vld [tilespmem:s9+$0x80]  }
0x83: {  	s16 =	simm.s32 $0x40;
	v16 =	vld [tilespmem:s30+$0x0];
	s17 =	sand.u32 $0x3800, s12;
	s11 =	sor.u32 s1, s10;
	v20 =	vmul.f32 v20, v21  }
0x84: {  	s14 =	simm.s32 $0x500;
	v10 =	vadd.f32 v12, v10;
	v24 =	vadd.f32 v17, v11;
	v12 =	vimm.f32 $0.0e+00;
	s1 =	sand.u32 $0x60, s16;
	s10 =	sshrl.u32 s17, $0x2;
	v15 =	vld [tilespmem:s11+$0x80]  }
0x85: {  	s18 =	simm.s32 $0x50;
	s20 =	sand.u32 $0x3800, s14;
	v17 =	vld [tilespmem:s30+$0x10];
	s12 =	sor.u32 s1, s10;
	v21 =	vadd.f32 v21, v12;
	v26 =	vmul.f32 v18, v22;
	v20 =	vadd.f32 v20, v12  }
0x86: {  	v25 =	vmul.f32 v13, v19;
	s1 =	sand.u32 $0x70, s18;
	s10 =	sshrl.u32 s20, $0x2;
	v11 =	vadd.f32 v19, v10;
	v13 =	vld [tilespmem:s12+$0x80]  }
0x87: {  	s10 =	sor.u32 s1, s10;
	v18 =	vld [tilespmem:s30+$0x20];
	v19 =	vadd.f32 v22, v21;
	v22 =	vmul.f32 v23, v14;
	v21 =	vadd.f32 v26, v20  }
0x88: {  	s14 =	simm.s32 $0x0;
	s15 =	simm.s32 $0x600;
	s16 =	simm.s32 $0x60;
	v10 =	vadd.f32 v25, v24;
	v20 =	vld [tilespmem:s10+$0x80]  }
.LBB2_4:
0x89: {  	s1 =	sshrl.u32 s15, $0x2;
	s14 =	sadd.s32 $0x6, s14;
	v14 =	vadd.f32 v14, v19;
	v19 =	vadd.f32 v22, v21;
	v16 =	vmul.f32 v16, v15;
	s30 =	sadd.s32 $0x60, s30  }
0x8a: {  	s17 =	sand.u32 $0x60, s16;
	s1 =	sand.u32 $0x600, s1;
	p1 =	slt.u32 s14, $0x12  }
0x8b: {  	s18 =	sor.u32 s17, s1;
	v21 =	vld [tilespmem:s30+$0xFFFFFFD0];
	s17 =	sor.u32 $0x10, s17;
	v14 =	vadd.f32 v15, v14;
	v15 =	vadd.f32 v16, v19;
	v16 =	vmul.f32 v17, v13  }
0x8c: {  	s20 =	sadd.s32 $0x200, s15;
	v17 =	vld [tilespmem:s18+$0x80];
	s1 =	sor.u32 s17, s1;
	s18 =	sand.u32 $0x180, s16  }
0x8d: {  	v19 =	vld [tilespmem:s1+$0x80];
	s1 =	sor.u32 s17, s18;
	s17 =	sadd.s32 $0x20, s16;
	s18 =	sand.u32 $0x3800, s20;
	v13 =	vadd.f32 v13, v14;
	v14 =	vadd.f32 v16, v15;
	v15 =	vmul.f32 v18, v20  }
0x8e: {  	v18 =	vld [tilespmem:s1+$0x700];
	s1 =	sand.u32 $0x60, s17;
	s17 =	sshrl.u32 s18, $0x2;
	s18 =	sadd.s32 $0x300, s15  }
0x8f: {  	s1 =	sor.u32 s1, s17;
	v22 =	vld [tilespmem:s30+$0xFFFFFFF0];
	s17 =	sadd.s32 $0x30, s16;
	s18 =	sand.u32 $0x3800, s18;
	v13 =	vadd.f32 v20, v13;
	v20 =	vadd.f32 v15, v14  }
0x90: {  	v14 =	vld [tilespmem:s1+$0x80];
	s1 =	sand.u32 $0x70, s17;
	s17 =	sshrl.u32 s18, $0x2;
	s18 =	sadd.s32 $0x400, s15  }
0x91: {  	v21 =	vmul.f32 v21, v17;
	s1 =	sor.u32 s1, s17;
	v16 =	vld [tilespmem:s30+$0x0];
	s17 =	sadd.s32 $0x40, s16;
	s18 =	sand.u32 $0x3800, s18  }
0x92: {  	v15 =	vld [tilespmem:s1+$0x80];
	s1 =	sand.u32 $0x60, s17  }
.Ltmp1:
0x93: {  	s17 =	sshrl.u32 s18, $0x2;
	s18 =	sadd.s32 $0x500, s15;
	(pc) =	sbr.rel @p1 .LBB2_4-.Ltmp1, $4  }
0x94: {  	v23 =	vadd.f32 v17, v13;
	v20 =	vadd.f32 v21, v20;
	v18 =	vmul.f32 v18, v19;
	s1 =	sor.u32 s1, s17;
	v17 =	vld [tilespmem:s30+$0x10];
	s17 =	sadd.s32 $0x50, s16;
	s18 =	sand.u32 $0x3800, s18  }
0x95: {  	v13 =	vld [tilespmem:s1+$0x80];
	s1 =	sand.u32 $0x70, s17;
	s17 =	sshrl.u32 s18, $0x2  }
0x96: {  	v19 =	vadd.f32 v19, v23;
	v21 =	vadd.f32 v18, v20;
	v22 =	vmul.f32 v22, v14;
	s1 =	sor.u32 s1, s17;
	v18 =	vld [tilespmem:s30+$0x20]  }
0x97: {  	s15 =	sadd.s32 $0x600, s15;
	s16 =	sadd.s32 $0x60, s16;
	v20 =	vld [tilespmem:s1+$0x80];
	s1 =	simm.s32 $0x730  }
0x98: {  	v23 =	vld [tilespmem:s1+$0xFFFFFFD0]  }
0x99: {  	v24 =	vld [tilespmem:s3+$0x100]  }
0x9a: {  	v25 =	vld [tilespmem:s6+$0x100]  }
0x9b: {  	v14 =	vadd.f32 v14, v19;
	v19 =	vadd.f32 v22, v21;
	v16 =	vmul.f32 v16, v15;
	v21 =	vld [tilespmem:s19+$0x700]  }
0x9c: {  	v26 =	vld [tilespmem:s1+$0xFFFFFFF0]  }
0x9d: {  	v14 =	vadd.f32 v15, v14;
	v15 =	vadd.f32 v16, v19;
	v16 =	vmul.f32 v17, v13;
	v17 =	vld [tilespmem:s9+$0x100]  }
0x9e: {  	v19 =	vld [tilespmem:s1+$0x0];
	v22 =	vmul.f32 v23, v24  }
0x9f: {  	v13 =	vadd.f32 v13, v14;
	v14 =	vadd.f32 v16, v15;
	v16 =	vmul.f32 v18, v20;
	v15 =	vld [tilespmem:s11+$0x100]  }
0xa0: {  	v18 =	vld [tilespmem:s1+$0x10];
	v23 =	vadd.f32 v24, v12;
	v21 =	vmul.f32 v21, v25;
	v63 =	vadd.f32 v22, v12  }
0xa1: {  	s3 =	simm.s32 $0x0;
	v13 =	vadd.f32 v20, v13;
	v12 =	vadd.f32 v16, v14;
	v14 =	vld [tilespmem:s12+$0x100]  }
0xa2: {  	s6 =	simm.s32 $0x600;
	s9 =	simm.s32 $0x60;
	s11 =	simm.s32 $0x730;
	v22 =	vadd.f32 v25, v23;
	v16 =	vld [tilespmem:s1+$0x20];
	v20 =	vadd.f32 v21, v63;
	v21 =	vmul.f32 v26, v17  }
.LBB2_6:
0xa3: {  	s12 =	sshrl.u32 s6, $0x2;
	s3 =	sadd.s32 $0x6, s3;
	v23 =	vld [tilespmem:s10+$0x100];
	s11 =	sadd.s32 $0x60, s11  }
0xa4: {  	s10 =	sand.u32 $0x60, s9;
	s12 =	sand.u32 $0x600, s12;
	p1 =	slt.u32 s3, $0x12;
	v17 =	vadd.f32 v17, v22;
	v20 =	vadd.f32 v21, v20;
	v19 =	vmul.f32 v19, v15  }
0xa5: {  	s14 =	sor.u32 s10, s12;
	v21 =	vld [tilespmem:s11+$0xFFFFFFD0];
	s10 =	sor.u32 $0x10, s10  }
0xa6: {  	s15 =	sadd.s32 $0x200, s6;
	v22 =	vld [tilespmem:s14+$0x100];
	s12 =	sor.u32 s10, s12;
	s14 =	sand.u32 $0x180, s9;
	v15 =	vadd.f32 v15, v17;
	v17 =	vadd.f32 v19, v20;
	v18 =	vmul.f32 v18, v14  }
0xa7: {  	v20 =	vld [tilespmem:s12+$0x100];
	s10 =	sor.u32 s10, s14;
	s12 =	sadd.s32 $0x20, s9;
	s14 =	sand.u32 $0x3800, s15  }
0xa8: {  	v24 =	vld [tilespmem:s10+$0x700];
	s10 =	sand.u32 $0x60, s12;
	s12 =	sshrl.u32 s14, $0x2;
	s14 =	sadd.s32 $0x300, s6;
	v14 =	vadd.f32 v14, v15;
	v15 =	vadd.f32 v18, v17;
	v16 =	vmul.f32 v16, v23  }
0xa9: {  	s10 =	sor.u32 s10, s12;
	v25 =	vld [tilespmem:s11+$0xFFFFFFF0];
	s12 =	sadd.s32 $0x30, s9;
	s14 =	sand.u32 $0x3800, s14  }
0xaa: {  	v17 =	vld [tilespmem:s10+$0x100];
	s10 =	sand.u32 $0x70, s12;
	s12 =	sshrl.u32 s14, $0x2  }
0xab: {  	s14 =	sadd.s32 $0x400, s6;
	v14 =	vadd.f32 v23, v14;
	v16 =	vadd.f32 v16, v15;
	s10 =	sor.u32 s10, s12  }
.Ltmp2:
0xac: {  	v18 =	vmul.f32 v21, v22;
	v19 =	vld [tilespmem:s11+$0x0];
	s12 =	sadd.s32 $0x40, s9;
	s14 =	sand.u32 $0x3800, s14;
	(pc) =	sbr.rel @p1 .LBB2_6-.Ltmp2, $4  }
0xad: {  	v15 =	vld [tilespmem:s10+$0x100];
	s10 =	sand.u32 $0x60, s12;
	s12 =	sshrl.u32 s14, $0x2;
	s14 =	sadd.s32 $0x500, s6  }
0xae: {  	v21 =	vadd.f32 v22, v14;
	v16 =	vadd.f32 v18, v16;
	v23 =	vmul.f32 v24, v20;
	s10 =	sor.u32 s10, s12;
	v18 =	vld [tilespmem:s11+$0x10];
	s12 =	sadd.s32 $0x50, s9;
	s14 =	sand.u32 $0x3800, s14  }
0xaf: {  	v14 =	vld [tilespmem:s10+$0x100];
	s10 =	sand.u32 $0x70, s12;
	s12 =	sshrl.u32 s14, $0x2  }
0xb0: {  	s6 =	sadd.s32 $0x600, s6;
	s9 =	sadd.s32 $0x60, s9;
	v22 =	vadd.f32 v20, v21;
	v20 =	vadd.f32 v23, v16;
	v21 =	vmul.f32 v25, v17;
	s10 =	sor.u32 s10, s12;
	v16 =	vld [tilespmem:s11+$0x20]  }
0xb1: {  	s3 =	simm.s32 $0x0;
	s6 =	simm.s32 $0x0  }
0xb2: {  	v23 =	vld [tilespmem:s10+$0x100];
	s9 =	sand.u32 $0x60, s3;
	s6 =	sand.u32 $0x600, s6  }
0xb3: {  	v24 =	vld [tilespmem:s1+$0xFFFFFFD0];
	s18 =	sor.u32 s9, s6;
	s9 =	sor.u32 $0x10, s9  }
0xb4: {  	s19 =	simm.s32 $0x200;
	s3 =	sand.u32 $0x180, s3;
	v25 =	vld [tilespmem:s18+$0x180];
	s6 =	sor.u32 s9, s6  }
0xb5: {  	s20 =	simm.s32 $0x20;
	v17 =	vadd.f32 v17, v22;
	s30 =	sand.u32 $0x3800, s19;
	s3 =	sor.u32 s9, s3;
	v22 =	vld [tilespmem:s6+$0x180]  }
0xb6: {  	s10 =	simm.s32 $0x300;
	v20 =	vadd.f32 v21, v20;
	v19 =	vmul.f32 v19, v15;
	s9 =	sshrl.u32 s30, $0x2;
	v21 =	vld [tilespmem:s3+$0x700];
	s6 =	sand.u32 $0x60, s20  }
0xb7: {  	v26 =	vld [tilespmem:s1+$0xFFFFFFF0];
	s11 =	simm.s32 $0x30;
	v15 =	vadd.f32 v15, v17;
	s3 =	sor.u32 s6, s9;
	s9 =	sand.u32 $0x3800, s10  }
0xb8: {  	s15 =	simm.s32 $0x400;
	s12 =	sand.u32 $0x70, s11;
	v19 =	vadd.f32 v19, v20;
	v20 =	vmul.f32 v18, v14;
	v17 =	vld [tilespmem:s3+$0x180];
	s14 =	sshrl.u32 s9, $0x2  }
0xb9: {  	s16 =	simm.s32 $0x40;
	v18 =	vld [tilespmem:s1+$0x0];
	v14 =	vadd.f32 v14, v15;
	s9 =	sand.u32 $0x3800, s15;
	s3 =	sor.u32 s12, s14;
	v15 =	vmul.f32 v24, v25  }
0xba: {  	s17 =	sand.u32 $0x60, s16;
	s19 =	simm.s32 $0x500;
	v19 =	vadd.f32 v20, v19;
	v20 =	vimm.f32 $0.0e+00;
	s18 =	sshrl.u32 s9, $0x2;
	v24 =	vmul.f32 v16, v23;
	v16 =	vld [tilespmem:s3+$0x180]  }
0xbb: {  	s20 =	simm.s32 $0x50;
	s9 =	sand.u32 $0x3800, s19;
	v25 =	vadd.f32 v25, v20;
	s6 =	sor.u32 s17, s18;
	v21 =	vmul.f32 v21, v22;
	v27 =	vadd.f32 v15, v20;
	v20 =	vld [tilespmem:s1+$0x10]  }
0xbc: {  	s30 =	sand.u32 $0x70, s20;
	s3 =	simm.s32 $0x0;
	s9 =	sshrl.u32 s9, $0x2;
	v15 =	vadd.f32 v23, v14;
	v14 =	vadd.f32 v24, v19;
	v19 =	vld [tilespmem:s6+$0x180]  }
0xbd: {  	s10 =	sor.u32 s30, s9;
	s9 =	simm.s32 $0x60;
	v24 =	vadd.f32 v22, v25;
	s6 =	simm.s32 $0x600;
	v23 =	vmul.f32 v26, v17;
	v22 =	vadd.f32 v21, v27;
	v21 =	vld [tilespmem:s1+$0x20]  }
.LBB2_8:
0xbe: {  	s11 =	sshrl.u32 s6, $0x2;
	s3 =	sadd.s32 $0x6, s3;
	v25 =	vld [tilespmem:s10+$0x180];
	s1 =	sadd.s32 $0x60, s1  }
0xbf: {  	s10 =	sand.u32 $0x60, s9;
	s11 =	sand.u32 $0x600, s11;
	p1 =	slt.u32 s3, $0x12;
	v17 =	vadd.f32 v17, v24;
	v22 =	vadd.f32 v23, v22;
	v18 =	vmul.f32 v18, v16  }
0xc0: {  	s12 =	sor.u32 s10, s11;
	v23 =	vld [tilespmem:s1+$0xFFFFFFD0];
	s10 =	sor.u32 $0x10, s10  }
0xc1: {  	s14 =	sadd.s32 $0x200, s6;
	v24 =	vld [tilespmem:s12+$0x180];
	s11 =	sor.u32 s10, s11;
	s12 =	sand.u32 $0x180, s9;
	v16 =	vadd.f32 v16, v17;
	v17 =	vadd.f32 v18, v22;
	v18 =	vmul.f32 v20, v19  }
0xc2: {  	v22 =	vld [tilespmem:s11+$0x180];
	s10 =	sor.u32 s10, s12;
	s11 =	sadd.s32 $0x20, s9;
	s12 =	sand.u32 $0x3800, s14  }
0xc3: {  	v20 =	vld [tilespmem:s10+$0x700];
	s10 =	sand.u32 $0x60, s11;
	s11 =	sshrl.u32 s12, $0x2;
	s12 =	sadd.s32 $0x300, s6;
	v16 =	vadd.f32 v19, v16;
	v18 =	vadd.f32 v18, v17;
	v19 =	vmul.f32 v21, v25  }
0xc4: {  	s10 =	sor.u32 s10, s11;
	v21 =	vld [tilespmem:s1+$0xFFFFFFF0];
	s11 =	sadd.s32 $0x30, s9;
	s12 =	sand.u32 $0x3800, s12  }
0xc5: {  	v17 =	vld [tilespmem:s10+$0x180];
	s10 =	sand.u32 $0x70, s11;
	s11 =	sshrl.u32 s12, $0x2  }
0xc6: {  	s12 =	sadd.s32 $0x400, s6;
	v25 =	vadd.f32 v25, v16;
	v19 =	vadd.f32 v19, v18;
	s10 =	sor.u32 s10, s11  }
.Ltmp3:
0xc7: {  	v23 =	vmul.f32 v23, v24;
	v18 =	vld [tilespmem:s1+$0x0];
	s11 =	sadd.s32 $0x40, s9;
	s12 =	sand.u32 $0x3800, s12;
	(pc) =	sbr.rel @p1 .LBB2_8-.Ltmp3, $4  }
0xc8: {  	v16 =	vld [tilespmem:s10+$0x180];
	s10 =	sand.u32 $0x60, s11;
	s11 =	sshrl.u32 s12, $0x2;
	s12 =	sadd.s32 $0x500, s6  }
0xc9: {  	v24 =	vadd.f32 v24, v25;
	v23 =	vadd.f32 v23, v19;
	v25 =	vmul.f32 v20, v22;
	s10 =	sor.u32 s10, s11;
	v20 =	vld [tilespmem:s1+$0x10];
	s11 =	sadd.s32 $0x50, s9;
	s12 =	sand.u32 $0x3800, s12  }
0xca: {  	v19 =	vld [tilespmem:s10+$0x180];
	s10 =	sand.u32 $0x70, s11;
	s11 =	sshrl.u32 s12, $0x2  }
0xcb: {  	s6 =	sadd.s32 $0x600, s6;
	s9 =	sadd.s32 $0x60, s9;
	v24 =	vadd.f32 v22, v24;
	v22 =	vadd.f32 v25, v23;
	v23 =	vmul.f32 v21, v17;
	s10 =	sor.u32 s10, s11;
	v21 =	vld [tilespmem:s1+$0x20]  }
0xcc: {  	_ = 	snop  }
0xcd: {  	(xrf2) =	vadd.scan.msk.f32 $0xffff, v11;
	v17 =	vadd.f32 v17, v24  }
0xce: {  	v11 =	vld [tilespmem:s10+$0x180]  }
0xcf: {  	v17 =	vadd.f32 v16, v17  }
0xd0: {  	(xrf2) =	vadd.scan.msk.f32 $0xffff, v10  }
0xd1: {  	(xrf2) =	vadd.scan.msk.f32 $0xffff, v13;
	v10 =	vadd.f32 v19, v17  }
0xd2: {  	(xrf2) =	vadd.scan.msk.f32 $0xffff, v12  }
0xd3: {  	(xrf2) =	vadd.scan.msk.f32 $0xffff, v15;
	v10 =	vadd.f32 v11, v10;
	_ =	sdelay $0x2  }
0xd4: {  	(xrf2) =	vadd.scan.msk.f32 $0xffff, v14  }
0xd5: {  	v13 =	vmul.f32 v18, v16;
	v12 =	vadd.f32 v23, v22;
	(xrf2) =	vadd.scan.msk.f32 $0xffff, v10;
	v10, _, _ =	vpop (xrf2)  }
0xd6: {  	v10 =	vbroadcast v10, $0xF  }
0xd7: {  	v12 =	vadd.f32 v13, v12;
	v13 =	vmul.f32 v20, v19  }
0xd8: {  	v14, _, _ =	vpop (xrf2)  }
0xd9: {  	v15, _, _ =	vpop (xrf2)  }
0xda: {  	v12 =	vadd.f32 v13, v12;
	v11 =	vmul.f32 v21, v11;
	(erf) = vrcp.f32 v10;
	v10, _, _ =	vpop (xrf2)  }
0xdb: {  	v13, _, _ =	vpop (xrf2)  }
0xdc: {  	v11 =	vadd.f32 v11, v12;
	v12 =	vbroadcast v13, $0xF  }
0xdd: {  	v15 =	vbroadcast v15, $0xF;
	_ =	sdelay $0x1  }
0xde: {  	(erf) = vrcp.f32 v15;
	v13, _, _ =	vpop (xrf2)  }
0xdf: {  	(erf) = vrcp.f32 v12;
	v12, _, _ =	vpop (xrf2)  }
0xe0: {  	(xrf2) =	vadd.scan.msk.f32 $0xffff, v11;
	v11 =	vbroadcast v12, $0xF;
	_ =	sdelay $0x2  }
0xe1: {  	v12 =	vbroadcast v14, $0xF;
	(erf) = vrcp.f32 v11  }
0xe2: {  	v11 =	vpop (erf)  }
0xe3: {  	v11 =	vmul.f32 v11, v12;
	_ =	sdelay $0x1  }
0xe4: {  	v10 =	vbroadcast v10, $0xF;
	vm8 =	vge.f32 v11, $8.999999760e-01  }
0xe5: {  	v12 =	vpop (erf);
	v14 =	vnsel vm8, $0x0, v11;
	v11 =	vnsel vm1, $0x0, v11  }
0xe6: {  	v15 =	vpop (erf);
	v10 =	vmul.f32 v12, v10;
	v12 =	vbroadcast v13, $0xF;
	v11 =	vsel vm0, v11, v14  }
0xe7: {  	v13, _, _ =	vpop (xrf2)  }
0xe8: {  	v13 =	vbroadcast v13, $0xF;
	vm8 =	vge.f32 v10, $8.999999760e-01;
	v12 =	vmul.f32 v15, v12  }
0xe9: {  	v14 =	vnsel vm8, $0x0, v10;
	v10 =	vsel vm2, v11, v10;
	v11 =	vpop (erf)  }
0xea: {  	vm8 =	vge.f32 v12, $8.999999760e-01;
	v10 =	vsel vm3, v10, v14;
	v11 =	vmul.f32 v11, v13  }
0xeb: {  	v10 =	vsel vm4, v10, v12;
	v13 =	vnsel vm8, $0x0, v12  }
0xec: {  	v10 =	vsel vm5, v10, v13;
	vm8 =	vge.f32 v11, $8.999999760e-01  }
0xed: {  	v10 =	vsel vm6, v10, v11;
	v12 =	vnsel vm8, $0x0, v11  }
0xee: {  	v10 =	vsel vm7, v10, v12  }
0xef: {  	s1 =	rddreg [dreg:$0xf];
	s3 =	simm.s32 $0x880;
	[tilespmem:$0x880] =	vst v10  }
0xf0: {  	[spmem:s1] =	stream.linear.scatter [tilespmem:s3], [sflag:$0xA], $0x10, $0x38;
	[tilespmem:$0x10B90] =	vst v63  }
0xf1: {  	_ =	swait.ge [sflag:s31], $0x10  }
0xf2: {  	[sflag:s31] =	ssyncset.done $0x0  }
0xf3: {  	[sflag:s31] =	ssyncadd.s32 $0xFFFFFFF0  }
0xf4: {  	[bflag:$0x0] =	sbarrier.arrive $0xFFFF  }
0xf5: {  	s20 =	rddreg [dreg:$0x8]  }
0xf6: {  	[tilespmem:s5], [sflag:$0xA] =	stream.linear.gather [spmem:s20], $0x100, $0x38;
	[tilespmem:$0x10B90] =	vst v63  }
0xf7: {  	_ =	swait.ge [sflag:s31], $0x100  }
0xf8: {  	[sflag:s31] =	ssyncset.done $0x0  }
0xf9: {  	[sflag:s31] =	ssyncadd.s32 $0xFFFFFF00  }
0xfa: {  	v10 =	vld.idx.msk [tilespmem:v1+s5+$0x0], $0xffff;
	_ =	sdelay $0x4  }
0xfb: {  	[tilespmem:$0xB00] =	vst v10  }
0xfc: {  	v10 =	vld.idx.msk [tilespmem:v2+s5+$0x0], $0xffff;
	_ =	sdelay $0x4  }
0xfd: {  	[tilespmem:$0xB10] =	vst v10  }
0xfe: {  	v10 =	vld.idx.msk [tilespmem:v4+s5+$0x0], $0xffff;
	_ =	sdelay $0x4  }
0xff: {  	[tilespmem:$0xB20] =	vst v10  }
0x100: {  	v10 =	vld.idx.msk [tilespmem:v5+s5+$0x0], $0xffff;
	_ =	sdelay $0x4  }
0x101: {  	[tilespmem:$0xB30] =	vst v10  }
0x102: {  	v10 =	vld.idx.msk @!p0 [tilespmem:v3+s5+$0x0], $0xffff;
	_ =	sdelay $0x4  }
0x103: {  	vm8 =	vge.f32 @!p0 v10, $8.999999760e-01  }
0x104: {  	[tilespmem:$0xA00] =	vst @!p0 v10;
	v10 =	vsel @!p0 vm8, $0x3F800000, v6  }
0x105: {  	[tilespmem:$0xA40] =	vst @!p0 v10  }
0x106: {  	v10 =	vld.idx.msk @!p0 [tilespmem:v7+s5+$0x0], $0xffff;
	_ =	sdelay $0x4  }
0x107: {  	vm9 =	vge.f32 @!p0 v10, $8.999999760e-01  }
0x108: {  	[tilespmem:$0xA10] =	vst @!p0 v10;
	v10 =	vsel @!p0 vm9, $0x3F800000, v6  }
0x109: {  	[tilespmem:$0xA50] =	vst @!p0 v10  }
0x10a: {  	v10 =	vld.idx.msk @!p0 [tilespmem:v8+s5+$0x0], $0xffff;
	_ =	sdelay $0x4  }
0x10b: {  	v11 =	vld @!p0 [tilespmem:$0x680];
	vm10 =	vge.f32 @!p0 v10, $8.999999760e-01  }
0x10c: {  	v12 =	vld @!p0 [tilespmem:$0x690];
	[tilespmem:$0xA20] =	vst @!p0 v10;
	v10 =	vsel @!p0 vm10, $0x3F800000, v6  }
0x10d: {  	v13 =	vld @!p0 [tilespmem:$0x6A0];
	[tilespmem:$0xA60] =	vst @!p0 v10  }
0x10e: {  	v10 =	vld.idx.msk @!p0 [tilespmem:v9+s5+$0x0], $0xffff  }
0x10f: {  	v14 =	vld @!p0 [tilespmem:$0x6B0];
	_ =	sdelay $0x1  }
0x110: {  	v11 =	vnsel @!p0 vm8, $0x0, v11  }
0x111: {  	(xrf0) =	vadd.scan.msk.s32 @!p0 $0xffff, v11;
	v12 =	vnsel @!p0 vm9, $0x0, v12  }
0x112: {  	(xrf0) =	vadd.scan.msk.s32 @!p0 $0xffff, v12;
	v11 =	vnsel @!p0 vm10, $0x0, v13;
	vm8 =	vge.f32 @!p0 v10, $8.999999760e-01  }
0x113: {  	(xrf0) =	vadd.scan.msk.s32 @!p0 $0xffff, v11;
	v11 =	vnsel @!p0 vm8, $0x0, v14  }
0x114: {  	(xrf0) =	vadd.scan.msk.s32 @!p0 $0xffff, v11;
	_ =	sdelay $0x2  }
0x115: {  	v11, _, _ =	vpop @!p0 (xrf0)  }
0x116: {  	v12, _, _ =	vpop @!p0 (xrf0);
	(v2sf) =	vpush @!p0 v11, $0xF  }
0x117: {  	v11, _, _ =	vpop @!p0 (xrf0);
	(v2sf) =	vpush @!p0 v12, $0xF  }
0x118: {  	(v2sf) =	vpush @!p0 v11, $0xF;
	v11, _, _ =	vpop @!p0 (xrf0)  }
0x119: {  	(v2sf) =	vpush @!p0 v11, $0xF;
	_ =	sdelay $0xb  }
0x11a: {  	s1 =	spop @!p0 (v2sf)  }
0x11b: {  	s3 =	spop @!p0 (v2sf)  }
0x11c: {  	s1 =	sadd.s32 @!p0 s1, s3;
	s3 =	spop @!p0 (v2sf)  }
0x11d: {  	s1 =	sadd.s32 @!p0 s3, s1;
	s3 =	spop @!p0 (v2sf)  }
0x11e: {  	s1 =	sadd.s32 @!p0 s3, s1  }
0x11f: {  	v11 =	vmov @!p0 s1  }
0x120: {  	v11 =	vcvt.s32.f32 @!p0 v11;
	_ =	sdelay $0x1  }
0x121: {  	[tilespmem:$0xA30] =	vst @!p0 v10;
	v10 =	vsel @!p0 vm8, $0x3F800000, v6;
	v11 =	vbroadcast @!p0 v11, $0x0  }
0x122: {  	[tilespmem:$0xA70] =	vst @!p0 v10  }
0x123: {  	[tilespmem:$0xA80] =	vst @!p0 v11  }
0x124: {  	_ =	swait.ge [sflag:s7], $0x2000  }
0x125: {  	[sflag:s7] =	ssyncset.done $0x0  }
0x126: {  	s30 =	simm.s32 $0xBC0;
	[sflag:s7] =	ssyncadd.s32 $0xFFFFE000  }
0x127: {  	v10 =	vld [tilespmem:s30+$0x30]  }
0x128: {  	v11 =	vld [tilespmem:s30+$0xFFFFFFD0]  }
0x129: {  	v12 =	vld [tilespmem:s30+$0xFFFFFFE0]  }
0x12a: {  	v13 =	vld [tilespmem:s30+$0xFFFFFFF0]  }
0x12b: {  	v14 =	vld [tilespmem:s30+$0x0]  }
0x12c: {  	v16 =	vld [tilespmem:s30+$0x10]  }
0x12d: {  	v17 =	vld [tilespmem:s30+$0x20]  }
0x12e: {  	v61 =	vld [tilespmem:s30+$0xFFFFFFC0]  }
0x12f: {  	v62 =	vld.idx.msk [tilespmem:v10+s0+$0x0], $0xffff  }
0x130: {  	v63 =	vld.idx.msk [tilespmem:v11+s0+$0x0], $0xffff  }
0x131: {  	v15 =	vld.idx.msk [tilespmem:v12+s0+$0x0], $0xffff  }
0x132: {  	v13 =	vld.idx.msk [tilespmem:v13+s0+$0x0], $0xffff  }
0x133: {  	v10 =	vld.idx.msk [tilespmem:v14+s0+$0x0], $0xffff  }
0x134: {  	s1 =	simm.s32 $0x8BC0;
	v11 =	vld.idx.msk [tilespmem:v16+s0+$0x0], $0xffff  }
0x135: {  	v12 =	vld.idx.msk [tilespmem:v17+s0+$0x0], $0xffff;
	[tilespmem:s1+$0x30] =	vst v62  }
0x136: {  	s6 =	simm.s32 $0xC40;
	s3 =	simm.s32 $0x0;
	v14 =	vld.idx.msk [tilespmem:v61+s0+$0x0], $0xffff;
	[tilespmem:s1+$0xFFFFFFD0] =	vst v63  }
.LBB2_10:
0x137: {  	v16 =	vld [tilespmem:s6+$0x30];
	s3 =	sadd.s32 $0x8, s3;
	[tilespmem:s1+$0xFFFFFFE0] =	vst v15  }
0x138: {  	v15 =	vld [tilespmem:s6+$0xFFFFFFD0];
	p1 =	slt.u32 s3, $0x1F8;
	[tilespmem:s1+$0xFFFFFFF0] =	vst v13  }
0x139: {  	v13 =	vld [tilespmem:s6+$0xFFFFFFE0];
	[tilespmem:s1+$0x0] =	vst v10  }
0x13a: {  	v10 =	vld [tilespmem:s6+$0xFFFFFFF0];
	[tilespmem:s1+$0x10] =	vst v11  }
0x13b: {  	v11 =	vld [tilespmem:s6+$0x0];
	[tilespmem:s1+$0x20] =	vst v12  }
0x13c: {  	v12 =	vld [tilespmem:s6+$0x10];
	[tilespmem:s1+$0xFFFFFFC0] =	vst v14  }
0x13d: {  	v14 =	vld [tilespmem:s6+$0x20]  }
0x13e: {  	v17 =	vld [tilespmem:s6+$0xFFFFFFC0]  }
0x13f: {  	v16 =	vld.idx.msk [tilespmem:v16+s0+$0x0], $0xffff  }
0x140: {  	v18 =	vld.idx.msk [tilespmem:v15+s0+$0x0], $0xffff  }
0x141: {  	v15 =	vld.idx.msk [tilespmem:v13+s0+$0x0], $0xffff  }
.Ltmp4:
0x142: {  	v13 =	vld.idx.msk [tilespmem:v10+s0+$0x0], $0xffff;
	(pc) =	sbr.rel @p1 .LBB2_10-.Ltmp4, $4  }
0x143: {  	v10 =	vld.idx.msk [tilespmem:v11+s0+$0x0], $0xffff  }
0x144: {  	s1 =	sadd.s32 $0x80, s1;
	v11 =	vld.idx.msk [tilespmem:v12+s0+$0x0], $0xffff  }
0x145: {  	v12 =	vld.idx.msk [tilespmem:v14+s0+$0x0], $0xffff;
	[tilespmem:s1+$0x30] =	vst v16  }
0x146: {  	s6 =	sadd.s32 $0x80, s6;
	v14 =	vld.idx.msk [tilespmem:v17+s0+$0x0], $0xffff;
	[tilespmem:s1+$0xFFFFFFD0] =	vst v18  }
0x147: {  	[tilespmem:s1+$0xFFFFFFE0] =	vst v15  }
0x148: {  	[tilespmem:s1+$0xFFFFFFF0] =	vst v13  }
0x149: {  	[tilespmem:s1+$0x0] =	vst v10  }
0x14a: {  	[tilespmem:s1+$0x10] =	vst v11  }
0x14b: {  	[tilespmem:s1+$0x20] =	vst v12  }
0x14c: {  	[tilespmem:s1+$0xFFFFFFC0] =	vst v14  }
0x14d: {  	s3 =	simm.s32 $0x8B80;
	s1 =	rddreg [dreg:$0x10]  }
0x14e: {  	[hbm4b:s1+s8] =	stream.linear.scatter [tilespmem:s3], [sflag:$0x5], $0x2000, $0x38;
	[tilespmem:$0x10B90] =	vst v63  }
0x14f: {  	_ =	swait.ge [sflag:s2], $0x2000  }
0x150: {  	[sflag:s2] =	ssyncset.done $0x0  }
0x151: {  	s30 =	simm.s32 $0x2BC0;
	[sflag:s2] =	ssyncadd.s32 $0xFFFFE000  }
0x152: {  	v10 =	vld [tilespmem:s30+$0x30]  }
0x153: {  	v11 =	vld [tilespmem:s30+$0xFFFFFFD0]  }
0x154: {  	v12 =	vld [tilespmem:s30+$0xFFFFFFE0]  }
0x155: {  	v13 =	vld [tilespmem:s30+$0xFFFFFFF0]  }
0x156: {  	v14 =	vld [tilespmem:s30+$0x0]  }
0x157: {  	v16 =	vld [tilespmem:s30+$0x10]  }
0x158: {  	v17 =	vld [tilespmem:s30+$0x20]  }
0x159: {  	v18 =	vld [tilespmem:s30+$0xFFFFFFC0]  }
0x15a: {  	v19 =	vld.idx.msk [tilespmem:v10+s0+$0x0], $0xffff  }
0x15b: {  	v20 =	vld.idx.msk [tilespmem:v11+s0+$0x0], $0xffff  }
0x15c: {  	v15 =	vld.idx.msk [tilespmem:v12+s0+$0x0], $0xffff  }
0x15d: {  	v13 =	vld.idx.msk [tilespmem:v13+s0+$0x0], $0xffff  }
0x15e: {  	v10 =	vld.idx.msk [tilespmem:v14+s0+$0x0], $0xffff  }
0x15f: {  	s1 =	simm.s32 $0xABC0;
	v11 =	vld.idx.msk [tilespmem:v16+s0+$0x0], $0xffff  }
0x160: {  	v12 =	vld.idx.msk [tilespmem:v17+s0+$0x0], $0xffff;
	[tilespmem:s1+$0x30] =	vst v19  }
0x161: {  	s6 =	simm.s32 $0x2C40;
	s3 =	simm.s32 $0x0;
	v14 =	vld.idx.msk [tilespmem:v18+s0+$0x0], $0xffff;
	[tilespmem:s1+$0xFFFFFFD0] =	vst v20  }
.LBB2_12:
0x162: {  	v16 =	vld [tilespmem:s6+$0x30];
	s3 =	sadd.s32 $0x8, s3;
	[tilespmem:s1+$0xFFFFFFE0] =	vst v15  }
0x163: {  	v15 =	vld [tilespmem:s6+$0xFFFFFFD0];
	p1 =	slt.u32 s3, $0x1F8;
	[tilespmem:s1+$0xFFFFFFF0] =	vst v13  }
0x164: {  	v13 =	vld [tilespmem:s6+$0xFFFFFFE0];
	[tilespmem:s1+$0x0] =	vst v10  }
0x165: {  	v10 =	vld [tilespmem:s6+$0xFFFFFFF0];
	[tilespmem:s1+$0x10] =	vst v11  }
0x166: {  	v11 =	vld [tilespmem:s6+$0x0];
	[tilespmem:s1+$0x20] =	vst v12  }
0x167: {  	v12 =	vld [tilespmem:s6+$0x10];
	[tilespmem:s1+$0xFFFFFFC0] =	vst v14  }
0x168: {  	v14 =	vld [tilespmem:s6+$0x20]  }
0x169: {  	v17 =	vld [tilespmem:s6+$0xFFFFFFC0]  }
0x16a: {  	v16 =	vld.idx.msk [tilespmem:v16+s0+$0x0], $0xffff  }
0x16b: {  	v18 =	vld.idx.msk [tilespmem:v15+s0+$0x0], $0xffff  }
0x16c: {  	v15 =	vld.idx.msk [tilespmem:v13+s0+$0x0], $0xffff  }
.Ltmp5:
0x16d: {  	v13 =	vld.idx.msk [tilespmem:v10+s0+$0x0], $0xffff;
	(pc) =	sbr.rel @p1 .LBB2_12-.Ltmp5, $4  }
0x16e: {  	v10 =	vld.idx.msk [tilespmem:v11+s0+$0x0], $0xffff  }
0x16f: {  	s1 =	sadd.s32 $0x80, s1;
	v11 =	vld.idx.msk [tilespmem:v12+s0+$0x0], $0xffff  }
0x170: {  	v12 =	vld.idx.msk [tilespmem:v14+s0+$0x0], $0xffff;
	[tilespmem:s1+$0x30] =	vst v16  }
0x171: {  	s6 =	sadd.s32 $0x80, s6;
	v14 =	vld.idx.msk [tilespmem:v17+s0+$0x0], $0xffff;
	[tilespmem:s1+$0xFFFFFFD0] =	vst v18  }
0x172: {  	[tilespmem:s1+$0xFFFFFFE0] =	vst v15  }
0x173: {  	[tilespmem:s1+$0xFFFFFFF0] =	vst v13  }
0x174: {  	[tilespmem:s1+$0x0] =	vst v10  }
0x175: {  	[tilespmem:s1+$0x10] =	vst v11  }
0x176: {  	[tilespmem:s1+$0x20] =	vst v12  }
0x177: {  	[tilespmem:s1+$0xFFFFFFC0] =	vst v14  }
0x178: {  	s3 =	simm.s32 $0xAB80;
	s1 =	rddreg [dreg:$0x11]  }
0x179: {  	[hbm4b:s1+s8] =	stream.linear.scatter [tilespmem:s3], [sflag:$0x6], $0x2000, $0x38;
	[tilespmem:$0x10B90] =	vst v63  }
0x17a: {  	_ =	swait.ge [sflag:s4], $0x2000  }
0x17b: {  	[sflag:s4] =	ssyncset.done $0x0  }
0x17c: {  	s30 =	simm.s32 $0x4BC0;
	[sflag:s4] =	ssyncadd.s32 $0xFFFFE000  }
0x17d: {  	v10 =	vld [tilespmem:s30+$0x30]  }
0x17e: {  	v11 =	vld [tilespmem:s30+$0xFFFFFFD0]  }
0x17f: {  	v12 =	vld [tilespmem:s30+$0xFFFFFFE0]  }
0x180: {  	v13 =	vld [tilespmem:s30+$0xFFFFFFF0]  }
0x181: {  	v14 =	vld [tilespmem:s30+$0x0]  }
0x182: {  	v16 =	vld [tilespmem:s30+$0x10]  }
0x183: {  	v17 =	vld [tilespmem:s30+$0x20]  }
0x184: {  	v18 =	vld [tilespmem:s30+$0xFFFFFFC0]  }
0x185: {  	v19 =	vld.idx.msk [tilespmem:v10+s0+$0x0], $0xffff  }
0x186: {  	v20 =	vld.idx.msk [tilespmem:v11+s0+$0x0], $0xffff  }
0x187: {  	v15 =	vld.idx.msk [tilespmem:v12+s0+$0x0], $0xffff  }
0x188: {  	v13 =	vld.idx.msk [tilespmem:v13+s0+$0x0], $0xffff  }
0x189: {  	v10 =	vld.idx.msk [tilespmem:v14+s0+$0x0], $0xffff  }
0x18a: {  	s1 =	simm.s32 $0xCBC0;
	v11 =	vld.idx.msk [tilespmem:v16+s0+$0x0], $0xffff  }
0x18b: {  	v12 =	vld.idx.msk [tilespmem:v17+s0+$0x0], $0xffff;
	[tilespmem:s1+$0x30] =	vst v19  }
0x18c: {  	s6 =	simm.s32 $0x4C40;
	s3 =	simm.s32 $0x0;
	v14 =	vld.idx.msk [tilespmem:v18+s0+$0x0], $0xffff;
	[tilespmem:s1+$0xFFFFFFD0] =	vst v20  }
.LBB2_14:
0x18d: {  	v16 =	vld [tilespmem:s6+$0x30];
	s3 =	sadd.s32 $0x8, s3;
	[tilespmem:s1+$0xFFFFFFE0] =	vst v15  }
0x18e: {  	v15 =	vld [tilespmem:s6+$0xFFFFFFD0];
	p1 =	slt.u32 s3, $0x1F8;
	[tilespmem:s1+$0xFFFFFFF0] =	vst v13  }
0x18f: {  	v13 =	vld [tilespmem:s6+$0xFFFFFFE0];
	[tilespmem:s1+$0x0] =	vst v10  }
0x190: {  	v10 =	vld [tilespmem:s6+$0xFFFFFFF0];
	[tilespmem:s1+$0x10] =	vst v11  }
0x191: {  	v11 =	vld [tilespmem:s6+$0x0];
	[tilespmem:s1+$0x20] =	vst v12  }
0x192: {  	v12 =	vld [tilespmem:s6+$0x10];
	[tilespmem:s1+$0xFFFFFFC0] =	vst v14  }
0x193: {  	v14 =	vld [tilespmem:s6+$0x20]  }
0x194: {  	v17 =	vld [tilespmem:s6+$0xFFFFFFC0]  }
0x195: {  	v16 =	vld.idx.msk [tilespmem:v16+s0+$0x0], $0xffff  }
0x196: {  	v18 =	vld.idx.msk [tilespmem:v15+s0+$0x0], $0xffff  }
0x197: {  	v15 =	vld.idx.msk [tilespmem:v13+s0+$0x0], $0xffff  }
.Ltmp6:
0x198: {  	v13 =	vld.idx.msk [tilespmem:v10+s0+$0x0], $0xffff;
	(pc) =	sbr.rel @p1 .LBB2_14-.Ltmp6, $4  }
0x199: {  	v10 =	vld.idx.msk [tilespmem:v11+s0+$0x0], $0xffff  }
0x19a: {  	s1 =	sadd.s32 $0x80, s1;
	v11 =	vld.idx.msk [tilespmem:v12+s0+$0x0], $0xffff  }
0x19b: {  	v12 =	vld.idx.msk [tilespmem:v14+s0+$0x0], $0xffff;
	[tilespmem:s1+$0x30] =	vst v16  }
0x19c: {  	s6 =	sadd.s32 $0x80, s6;
	v14 =	vld.idx.msk [tilespmem:v17+s0+$0x0], $0xffff;
	[tilespmem:s1+$0xFFFFFFD0] =	vst v18  }
0x19d: {  	[tilespmem:s1+$0xFFFFFFE0] =	vst v15  }
0x19e: {  	[tilespmem:s1+$0xFFFFFFF0] =	vst v13  }
0x19f: {  	[tilespmem:s1+$0x0] =	vst v10  }
0x1a0: {  	[tilespmem:s1+$0x10] =	vst v11  }
0x1a1: {  	[tilespmem:s1+$0x20] =	vst v12  }
0x1a2: {  	[tilespmem:s1+$0xFFFFFFC0] =	vst v14  }
0x1a3: {  	s3 =	simm.s32 $0xCB80;
	s1 =	rddreg [dreg:$0x12]  }
0x1a4: {  	[hbm4b:s1+s8] =	stream.linear.scatter [tilespmem:s3], [sflag:$0x7], $0x2000, $0x38;
	[tilespmem:$0x10B90] =	vst v63  }
0x1a5: {  	_ =	swait.ge [sflag:s13], $0x1A20  }
0x1a6: {  	[sflag:s13] =	ssyncset.done $0x0  }
0x1a7: {  	s30 =	simm.s32 $0x6BC0;
	[sflag:s13] =	ssyncadd.s32 $0xFFFFE5E0  }
0x1a8: {  	v10 =	vld [tilespmem:s30+$0x30]  }
0x1a9: {  	v11 =	vld [tilespmem:s30+$0xFFFFFFD0]  }
0x1aa: {  	v12 =	vld [tilespmem:s30+$0xFFFFFFE0]  }
0x1ab: {  	v13 =	vld [tilespmem:s30+$0xFFFFFFF0]  }
0x1ac: {  	v15 =	vld [tilespmem:s30+$0x0]  }
0x1ad: {  	v16 =	vld [tilespmem:s30+$0x10]  }
0x1ae: {  	v17 =	vld [tilespmem:s30+$0x20]  }
0x1af: {  	v18 =	vld [tilespmem:s30+$0xFFFFFFC0]  }
0x1b0: {  	v19 =	vld.idx.msk [tilespmem:v10+s0+$0x0], $0xffff  }
0x1b1: {  	v20 =	vld.idx.msk [tilespmem:v11+s0+$0x0], $0xffff  }
0x1b2: {  	v14 =	vld.idx.msk [tilespmem:v12+s0+$0x0], $0xffff  }
0x1b3: {  	v13 =	vld.idx.msk [tilespmem:v13+s0+$0x0], $0xffff  }
0x1b4: {  	v10 =	vld.idx.msk [tilespmem:v15+s0+$0x0], $0xffff  }
0x1b5: {  	s1 =	simm.s32 $0xEBC0;
	v11 =	vld.idx.msk [tilespmem:v16+s0+$0x0], $0xffff  }
0x1b6: {  	v12 =	vld.idx.msk [tilespmem:v17+s0+$0x0], $0xffff;
	[tilespmem:s1+$0x30] =	vst v19  }
0x1b7: {  	s6 =	simm.s32 $0x6C40;
	s3 =	simm.s32 $0x0;
	v15 =	vld.idx.msk [tilespmem:v18+s0+$0x0], $0xffff;
	[tilespmem:s1+$0xFFFFFFD0] =	vst v20  }
.LBB2_16:
0x1b8: {  	v16 =	vld [tilespmem:s6+$0x30];
	s3 =	sadd.s32 $0x8, s3;
	[tilespmem:s1+$0xFFFFFFE0] =	vst v14  }
0x1b9: {  	v14 =	vld [tilespmem:s6+$0xFFFFFFD0];
	p1 =	slt.u32 s3, $0x198;
	[tilespmem:s1+$0xFFFFFFF0] =	vst v13  }
0x1ba: {  	v13 =	vld [tilespmem:s6+$0xFFFFFFE0];
	[tilespmem:s1+$0x0] =	vst v10  }
0x1bb: {  	v10 =	vld [tilespmem:s6+$0xFFFFFFF0];
	[tilespmem:s1+$0x10] =	vst v11  }
0x1bc: {  	v11 =	vld [tilespmem:s6+$0x0];
	[tilespmem:s1+$0x20] =	vst v12  }
0x1bd: {  	v12 =	vld [tilespmem:s6+$0x10];
	[tilespmem:s1+$0xFFFFFFC0] =	vst v15  }
0x1be: {  	v15 =	vld [tilespmem:s6+$0x20]  }
0x1bf: {  	v17 =	vld [tilespmem:s6+$0xFFFFFFC0]  }
0x1c0: {  	v16 =	vld.idx.msk [tilespmem:v16+s0+$0x0], $0xffff  }
0x1c1: {  	v18 =	vld.idx.msk [tilespmem:v14+s0+$0x0], $0xffff  }
0x1c2: {  	v14 =	vld.idx.msk [tilespmem:v13+s0+$0x0], $0xffff  }
.Ltmp7:
0x1c3: {  	v13 =	vld.idx.msk [tilespmem:v10+s0+$0x0], $0xffff;
	(pc) =	sbr.rel @p1 .LBB2_16-.Ltmp7, $4  }
0x1c4: {  	v10 =	vld.idx.msk [tilespmem:v11+s0+$0x0], $0xffff  }
0x1c5: {  	s1 =	sadd.s32 $0x80, s1;
	v11 =	vld.idx.msk [tilespmem:v12+s0+$0x0], $0xffff  }
0x1c6: {  	s9 =	simm.s32 $0x0;
	v12 =	vld.idx.msk [tilespmem:v15+s0+$0x0], $0xffff;
	[tilespmem:s1+$0x30] =	vst v16  }
0x1c7: {  	s6 =	sadd.s32 $0x80, s6;
	v15 =	vld.idx.msk [tilespmem:v17+s0+$0x0], $0xffff;
	[tilespmem:s1+$0xFFFFFFD0] =	vst v18  }
0x1c8: {  	[tilespmem:s1+$0xFFFFFFE0] =	vst v14  }
0x1c9: {  	[tilespmem:s1+$0xFFFFFFF0] =	vst v13  }
0x1ca: {  	[tilespmem:s1+$0x0] =	vst v10  }
0x1cb: {  	[tilespmem:s1+$0x10] =	vst v11  }
0x1cc: {  	[tilespmem:s1+$0x20] =	vst v12  }
0x1cd: {  	[tilespmem:s1+$0xFFFFFFC0] =	vst v15  }
.LBB2_18:
0x1ce: {  	s1 =	sshra.s32 s9, $0x2  }
0x1cf: {  	v10 =	vld [tilespmem:s1+$0x8580];
	_ =	sdelay $0x7  }
0x1d0: {  	p1 =	sne.s32 s9, $0x40;
	v10 =	vld.idx.msk [tilespmem:v10+s0+$0x0], $0xffff  }
.Ltmp8:
0x1d1: {  	_ = 	snop;
	(pc) =	sbr.rel @p1 .LBB2_18-.Ltmp8, $2  }
0x1d2: {  	_ =	sdelay $0x2  }
0x1d3: {  	s9 =	sadd.s32 $0x40, s9;
	[tilespmem:s1+$0x10580] =	vst v10  }
0x1d4: {  	s1 =	rddreg [dreg:$0x13];
	s3 =	simm.s32 $0xEB80  }
0x1d5: {  	[hbm4b:s1+s8] =	stream.linear.scatter [tilespmem:s3], [sflag:$0x8], $0x1A20, $0x38;
	[tilespmem:$0x10B90] =	vst v63  }
0x1d6: {  	s6 =	rddreg [dreg:$0x4];
	s1 =	simm.s32 @!p0 $0x0;
	s3 =	simm.s32 @!p0 $0xA00  }
0x1d7: {  	[hbm4b:s6+s1] =	stream.linear.scatter @!p0 [tilespmem:s3], [sflag:$0xA], $0x40, $0x38;
	[tilespmem:$0x10B90] =	vst v63  }
0x1d8: {  	s3 =	simm.s32 @!p0 $0xA  }
0x1d9: {  	_ =	swait.ge @!p0 [sflag:s3], $0x40  }
0x1da: {  	[sflag:s3] =	ssyncset.done @!p0 $0x0  }
0x1db: {  	[sflag:s3] =	ssyncadd.s32 @!p0 $0xFFFFFFC0  }
0x1dc: {  	s6 =	simm.s32 @!p0 $0xA40;
	s9 =	rddreg [dreg:$0x5]  }
0x1dd: {  	[hbm4b:s9+s1] =	stream.linear.scatter @!p0 [tilespmem:s6], [sflag:$0xA], $0x40, $0x38;
	[tilespmem:$0x10B90] =	vst v63  }
0x1de: {  	_ =	swait.ge @!p0 [sflag:s3], $0x40  }
0x1df: {  	[sflag:s3] =	ssyncset.done @!p0 $0x0  }
0x1e0: {  	[sflag:s3] =	ssyncadd.s32 @!p0 $0xFFFFFFC0  }
0x1e1: {  	s6 =	simm.s32 @!p0 $0xA80;
	s9 =	rddreg [dreg:$0x6]  }
0x1e2: {  	[hbm4b:s9+s1] =	stream.linear.scatter @!p0 [tilespmem:s6], [sflag:$0xA], $0x10, $0x38;
	[tilespmem:$0x10B90] =	vst v63  }
0x1e3: {  	_ =	swait.ge @!p0 [sflag:s3], $0x10  }
0x1e4: {  	[sflag:s3] =	ssyncset.done @!p0 $0x0  }
0x1e5: {  	[sflag:s3] =	ssyncadd.s32 @!p0 $0xFFFFFFF0  }
0x1e6: {  	_ =	swait.ge [sflag:s22], $0x2000  }
0x1e7: {  	[sflag:s22] =	ssyncset.done $0x0  }
0x1e8: {  	[sflag:s22] =	ssyncadd.s32 $0xFFFFE000  }
0x1e9: {  	_ =	swait.ge [sflag:s23], $0x2000  }
0x1ea: {  	[sflag:s23] =	ssyncset.done $0x0  }
0x1eb: {  	s26 =	sadd.s32 $0x1, s26;
	[sflag:s23] =	ssyncadd.s32 $0xFFFFE000  }
0x1ec: {  	p1 =	sne.s32 s26, s21;
	_ =	swait.ge [sflag:s24], $0x2000  }
.Ltmp9:
0x1ed: {  	[sflag:s24] =	ssyncset.done $0x0;
	(pc) =	sbr.rel @p1 .LBB2_1-.Ltmp9, $4  }
0x1ee: {  	[sflag:s24] =	ssyncadd.s32 $0xFFFFE000  }
0x1ef: {  	_ =	swait.ge [sflag:s25], $0x1A20  }
0x1f0: {  	[sflag:s25] =	ssyncset.done $0x0  }
0x1f1: {  	[sflag:s25] =	ssyncadd.s32 $0xFFFFE5E0  }
0x1f2: {  	_ =	sfence.sel $0x180000  }
0x1f3: {  	[bflag:$0x0] =	sbarrier.arrive $0xFFFF  }
0x1f4: {  	_ =	strace $0x90000047  }
0x1f5: {  	s0 =	stileid.u32;
	[bflag:$0x2] =	sbarrier.arrive $0xFFFF  }
0x1f6: {  	p0 =	sne.s32 s0, $0x0;
	s0 =	rddreg [dreg:$0x9]  }
0x1f7: {  	s0 =	sadd.s32 @!p0 $0x100000, s0  }
0x1f8: {  	[sflag:s0] =	ssyncadd.tile.s32 @!p0 $0x1;
	_ =	shalt  }
.Lfunc_end2:
_tile_overlayer_lowered:
.L_overlay_start_2:
0x1f9: {  	(tag) =	ssettag $0x2  }
0x1fa: {  	s0 =	rddreg [dreg:$0x0];
	s2 =	stileid.u32  }
0x1fb: {  	s1 =	rddreg [dreg:$0x1];
	p0 =	sne.s32 s2, $0x0  }
0x1fc: {  	s3 =	rddreg [dreg:$0x2];
	[bflag:$0x3] =	sbarrier.arrive $0xFFFF;
	s2 =	simm.s32 @!p0 $0x1C0A  }
0x1fd: {  	[timem:s3], [sflag:s2] =	dma.local @!p0 [hbm:s0], s1  }
0x1fe: {  	s0 =	simm.s32 @!p0 $0xA  }
0x1ff: {  	_ =	swait.ge @!p0 [sflag:s0], s1  }
0x200: {  	s1 =	ssub.s32 @!p0 $0x0, s1;
	[sflag:s0] =	ssyncset.done @!p0 $0x0  }
0x201: {  	[sflag:s0] =	ssyncadd.s32 @!p0 s1  }
0x202: {  	[bflag:$0x3] =	sbarrier.arrive $0xFFFF  }
0x203: {  	_ =	shalt  }

</sc_bundles>
